<compile_context>
chip_gen: v7x
topology: tpu7x:2x2x1
jax: 0.10.2.dev20260603
libtpu: 0.0.44.dev20260713+nightly
codegen_flags: <defaults>
</compile_context>

<pallas_src>
import functools

import jax
import jax.numpy as jnp
from jax import lax
from jax.experimental import pallas as pl
from jax.experimental.pallas import tpu as pltpu
from jax.experimental.pallas import tpu_sc as plsc

D = 512
BR = 2048


def _support_mean_kernel(sf_ref, q_ref):
    f = sf_ref[...]
    n2 = jnp.sum(f * f, axis=2, keepdims=True)
    fn = f * (1.0 / jnp.maximum(jnp.sqrt(n2), 1e-12))
    m = jnp.mean(fn, axis=1)
    mn = jnp.sqrt(jnp.sum(m * m, axis=1, keepdims=True))
    qn = m / jnp.maximum(mn, 1e-12)
    e = qn.shape[0]
    qe = jnp.concatenate(
        [qn, jnp.ones((1, D), jnp.float32), jnp.zeros((15 - e, D), jnp.float32)],
        axis=0,
    )
    q_ref[...] = qe


def _sim_kernel(n_base, bf_ref, q_ref, s_ref, g_ref, k_ref):
    i = pl.program_id(0)
    x = bf_ref[...]
    e = s_ref.shape[0]
    pa = jax.lax.dot_general(
        q_ref[...], x, (((1,), (1,)), ((), ())), preferred_element_type=jnp.float32
    )
    p = pa[0:e, :]
    n2 = jax.lax.dot_general(
        jnp.ones((1, D), jnp.float32) , x * x, (((1,), (1,)), ((), ())),
        preferred_element_type=jnp.float32,
    )
    rn = 1.0 / jnp.maximum(jnp.sqrt(n2), 1e-12)
    s = p * rn
    col = jax.lax.broadcasted_iota(jnp.int32, (e, BR), 1) + i * BR
    sm = jnp.where(col < n_base, s, -jnp.inf)
    s_ref[...] = sm
    g_ref[...] = rn
    b = jax.lax.bitcast_convert_type(sm, jnp.int32)
    k_ref[...] = jnp.where(b >= 0, b, b ^ jnp.int32(2**31 - 1))


def _threshold_kernel(k_top, s_ref, t_ref):
    s = s_ref[...]
    b = jax.lax.bitcast_convert_type(s, jnp.int32)
    u = jnp.where(b < 0, ~b, b | jnp.int32(-(2**31))).astype(jnp.uint32)
    e = s.shape[0]

    def body(i, prefix):
        bit = jax.lax.shift_left(jnp.uint32(1), (31 - i).astype(jnp.uint32))
        cand = prefix | bit
        cnt = jnp.sum((u >= cand).astype(jnp.int32), axis=1, keepdims=True)
        return jnp.where(cnt >= k_top, cand, prefix)

    prefix = jax.lax.fori_loop(0, 32, body, jnp.zeros((e, 1), jnp.uint32))
    pi = prefix.astype(jnp.int32)
    fb = jnp.where(pi < 0, pi & jnp.int32(2**31 - 1), ~pi)
    t = jax.lax.bitcast_convert_type(fb, jnp.float32)
    t_ref[...] = jnp.broadcast_to(t, t_ref.shape)


def _sc_threshold_body(k_top, n_pad, epc, keys_hbm, out_hbm,
                       keys_v, pub_v, all_v, red_v, t_v, shared_cnt):
    c = lax.axis_index("c")
    s_id = lax.axis_index("s")
    cols = n_pad // 16
    nv = cols // 16
    pltpu.sync_copy(
        keys_hbm.at[pl.ds(c * epc, epc), pl.ds(s_id * cols, cols)], keys_v
    )
    lanes = lax.iota(jnp.int32, 16)
    ones_v = jnp.full((16,), 1, jnp.int32)
    zeros_v = jnp.full((16,), 0, jnp.int32)
    k_v = jnp.full((16,), k_top, jnp.int32)

    def round_body(r, prefix):
        bit = jnp.broadcast_to(lax.shift_left(jnp.int32(1), 31 - r), (16,))
        cand = prefix + bit
        pub = zeros_v
        for e in range(epc):
            ce = jnp.broadcast_to(cand[e], (16,))

            def cnt_body(j, acc):
                v = keys_v[e, pl.ds(j * 16, 16)]
                return acc + jnp.where(v >= ce, ones_v, zeros_v)

            acc = lax.fori_loop(0, nv, cnt_body, zeros_v)
            cur = acc
            for step in (8, 4, 2, 1):
                red_v[...] = cur
                rot = plsc.load_gather(red_v, [(lanes + step) & 15])
                cur = cur + rot
            pub = jnp.where(lanes == jnp.full((16,), e, jnp.int32), cur, pub)
        pub_v[0, :] = pub
        pltpu.sync_copy(pub_v, shared_cnt.at[pl.ds(s_id, 1)])
        plsc.subcore_barrier()
        pltpu.sync_copy(shared_cnt, all_v)
        plsc.subcore_barrier()
        cnt = zeros_v
        for rr in range(16):
            cnt = cnt + all_v[rr, :]
        return jnp.where(cnt >= k_v, cand, prefix)

    prefix = lax.fori_loop(
        0, 32, round_body, jnp.full((16,), -(2**31), jnp.int32)
    )
    fb = jnp.where(
        prefix >= zeros_v, prefix, prefix ^ jnp.full((16,), 2**31 - 1, jnp.int32)
    )
    t_v[0, :] = lax.bitcast_convert_type(fb, jnp.float32)

    @pl.when(s_id == 0)
    def _():
        pltpu.sync_copy(t_v, out_hbm.at[pl.ds(c, 1)])


def _sc_threshold(keys, k_top, n_pad, epc):
    cols = n_pad // 16
    fn = functools.partial(_sc_threshold_body, k_top, n_pad, epc)
    return pl.kernel(
        fn,
        out_type=jax.ShapeDtypeStruct((2, 16), jnp.float32),
        mesh=plsc.VectorSubcoreMesh(core_axis_name="c", subcore_axis_name="s"),
        compiler_params=pltpu.CompilerParams(needs_layout_passes=False),
        scratch_types=[
            pltpu.VMEM((epc, cols), jnp.int32),
            pltpu.VMEM((1, 16), jnp.int32),
            pltpu.VMEM((16, 16), jnp.int32),
            pltpu.VMEM((16,), jnp.int32),
            pltpu.VMEM((1, 16), jnp.float32),
            pltpu.VMEM_SHARED((16, 16), jnp.int32),
        ],
    )(keys)


def _combine_kernel(bf_ref, s_ref, g_ref, t_ref, a_ref):
    @pl.when(pl.program_id(0) == 0)
    def _():
        a_ref[...] = jnp.zeros_like(a_ref)

    x = bf_ref[...]
    s = s_ref[...]
    t = t_ref[:, 0:1]
    w = jnp.where(s >= t, jnp.sqrt(s), 0.0) * g_ref[...]
    a_ref[...] += jax.lax.dot_general(
        w, x, (((1,), (0,)), ((), ())), preferred_element_type=jnp.float32
    )


def _project_kernel(f_ref, a_ref, o_ref):
    f = f_ref[0]
    a = a_ref[0]
    an = jnp.sqrt(jnp.sum(a * a, axis=1, keepdims=True))
    ah = a / jnp.maximum(an, 1e-12)
    n2 = jnp.sum(f * f, axis=1, keepdims=True)
    fn = f * (1.0 / jnp.maximum(jnp.sqrt(n2), 1e-12))
    cos = jnp.sum(fn * ah, axis=1, keepdims=True)
    r = fn - cos * ah
    rn2 = jnp.sum(r * r, axis=1, keepdims=True)
    o_ref[0] = r / jnp.maximum(jnp.sqrt(rn2), 1e-12)


def kernel(features, base_features, support_labels):
    import functools

    e, rows, d = features.shape
    n_base = base_features.shape[0]
    n_support = support_labels.shape[1]
    k_top = 15000 if n_base >= 15000 else int(0.1 * n_base)

    n_pad = ((n_base + BR - 1) // BR) * BR
    nblk = n_pad // BR

    sf = features[:, :n_support, :]
    qext = pl.pallas_call(
        _support_mean_kernel,
        out_shape=jax.ShapeDtypeStruct((16, d), jnp.float32),
    )(sf)

    bfp = jnp.pad(base_features, ((0, n_pad - n_base), (0, 0)))

    s, g, keys = pl.pallas_call(
        functools.partial(_sim_kernel, n_base),
        grid=(nblk,),
        in_specs=[
            pl.BlockSpec((BR, d), lambda i: (i, 0)),
            pl.BlockSpec((16, d), lambda i: (0, 0)),
        ],
        out_specs=[
            pl.BlockSpec((e, BR), lambda i: (0, i)),
            pl.BlockSpec((1, BR), lambda i: (0, i)),
            pl.BlockSpec((e, BR), lambda i: (0, i)),
        ],
        out_shape=[
            jax.ShapeDtypeStruct((e, n_pad), jnp.float32),
            jax.ShapeDtypeStruct((1, n_pad), jnp.float32),
            jax.ShapeDtypeStruct((e, n_pad), jnp.int32),
        ],
    )(bfp, qext)

    epc = e // 2
    t2 = _sc_threshold(keys, k_top, n_pad, epc)
    t_col = jnp.concatenate([t2[0, :epc], t2[1, :epc]]).reshape(e, 1)
    t = jnp.broadcast_to(t_col, (e, 128))

    a = pl.pallas_call(
        _combine_kernel,
        grid=(nblk,),
        in_specs=[
            pl.BlockSpec((BR, d), lambda i: (i, 0)),
            pl.BlockSpec((e, BR), lambda i: (0, i)),
            pl.BlockSpec((1, BR), lambda i: (0, i)),
            pl.BlockSpec((e, 128), lambda i: (0, 0)),
        ],
        out_specs=pl.BlockSpec((e, d), lambda i: (0, 0)),
        out_shape=jax.ShapeDtypeStruct((e, d), jnp.float32),
    )(bfp, s, g, t)

    out = pl.pallas_call(
        _project_kernel,
        grid=(e,),
        in_specs=[
            pl.BlockSpec((1, rows, d), lambda i: (i, 0, 0)),
            pl.BlockSpec((1, 1, d), lambda i: (i, 0, 0)),
        ],
        out_specs=pl.BlockSpec((1, rows, d), lambda i: (i, 0, 0)),
        out_shape=jax.ShapeDtypeStruct((e, rows, d), jnp.float32),
    )(features, a.reshape(e, 1, d))

    return out

# --- scband reference (transcript-rebuilt; emitter-appended) ---
"""Pipeline reference for scband-tcpr-40931038331405 (READ-ONLY COPY).

The authoritative reference and input builder live on the scoring server;
editing this copy changes nothing except your own understanding.
"""

import jax, jax.numpy as jnp
import numpy as np

K = 15000

def _norm(x):
    n = jnp.linalg.norm(x, ord=2, axis=-1, keepdims=True)
    return x / jnp.clip(n, 1e-12)

def setup_inputs(seed: int = 0):
    key = jax.random.key(seed)
    k1, k2, k3 = jax.random.split(key, 3)
    features = jax.random.normal(k1, (8, 1024, 512), dtype=jnp.float32)
    base_features = jax.random.normal(k2, (100000, 512), dtype=jnp.float32)
    support_labels = jax.random.randint(k3, (8, 25), 0, 5, dtype=jnp.int64)
    return {"features": features, "base_features": base_features, "support_labels": support_labels}

def reference(features, base_features, support_labels):
    k = K
    features = _norm(features)
    n_support = support_labels.shape[1]
    support_features = features[:, :n_support]
    bf = _norm(base_features[None, :, :])
    support_mean = jnp.mean(support_features, axis=1, keepdims=True)
    n_base = bf.shape[1]
    if n_base < k:
        k = int(0.1 * n_base)
    similar = jnp.matmul(_norm(support_mean), jnp.swapaxes(bf, 1, 2))
    sim_cos, pred = jax.lax.top_k(similar[:, 0], k)
    sim_weight_num = jnp.power(sim_cos, 0.5)
    sim_weight = sim_weight_num / jnp.sum(sim_weight_num, axis=1, keepdims=True)
    approximation = jnp.sum(sim_weight[:, :, None] * bf[0][pred, :], axis=1)[:, None, :]
    approximation = _norm(approximation)
    cos_val = jnp.sum(features * approximation, axis=-1, keepdims=True) \
        / jnp.linalg.norm(features, ord=2, axis=-1, keepdims=True) \
        / jnp.linalg.norm(approximation, ord=2, axis=-1, keepdims=True)
    sin_val = jnp.sqrt(jnp.clip(1.0 - cos_val * cos_val, 0.0))  # computed in original; unused in output
    out = _norm(features - cos_val * approximation)
    return out

if __name__ == "__main__":
    import jax
    _d = setup_inputs()
    print(jax.jit(kernel)(*tuple(_d.values())))

</pallas_src>

<mosaic_0001>
#map = affine_map<(d0, d1) -> (0, 0)>
module attributes {stable_mosaic.version = 14 : i64} {
  func.func @_sc_threshold_body(%arg0: i32, %arg1: i32, %arg2: memref<8x100352xi32, #tpu.memory_space<hbm>>, %arg3: memref<2x16xf32, #tpu.memory_space<hbm>>, %arg4: memref<4x6272xi32, #tpu.memory_space<vmem>>, %arg5: memref<1x16xi32, #tpu.memory_space<vmem>>, %arg6: memref<16x16xi32, #tpu.memory_space<vmem>>, %arg7: memref<16xi32, #tpu.memory_space<vmem>>, %arg8: memref<1x16xf32, #tpu.memory_space<vmem>>, %arg9: memref<16x16xi32, #tpu.memory_space<vmem_shared>>) attributes {dimension_semantics = [#tpu.dimension_semantics<core_parallel>, #tpu.dimension_semantics<subcore_parallel>], iteration_bounds = array<i64: 2, 16>, scalar_prefetch = 0 : i64, scratch_operands = 6 : i64, tpu.core_type = #tpu.core_type<sc_vector_subcore>, window_params = [{transform_indices = #map}, {transform_indices = #map}]} {
    %mul3A = arith.constant 4 : i32
    %mul3A_0 = arith.muli %arg0, %mul3A : i32
    %mul3A_1 = arith.constant 6272 : i32
    %mul3A_2 = arith.muli %arg1, %mul3A_1 : i32
    "tpu.region"() ({
      %run_scoped3A = tpu.sem_alloc : memref<!tpu.dma_semaphore, #tpu.memory_space<semaphore_mem>>
      %dma_start3A = tpu.memref_slice %arg2[%mul3A_0, %mul3A_2] : memref<8x100352xi32, #tpu.memory_space<hbm>> -> memref<4x6272xi32, #tpu.memory_space<hbm>>
      %dma_start3A_22 = tpu.memref_slice %arg2[%mul3A_0, %mul3A_2] : memref<8x100352xi32, #tpu.memory_space<hbm>> -> memref<4x6272xi32, #tpu.memory_space<hbm>>
      tpu.enqueue_dma source(%dma_start3A_22 : memref<4x6272xi32, #tpu.memory_space<hbm>>) target(%arg4 : memref<4x6272xi32, #tpu.memory_space<vmem>>) target_semaphore(%run_scoped3A : memref<!tpu.dma_semaphore, #tpu.memory_space<semaphore_mem>>)
      %dma_wait3A = tpu.memref_slice %arg2[%mul3A_0, %mul3A_2] : memref<8x100352xi32, #tpu.memory_space<hbm>> -> memref<4x6272xi32, #tpu.memory_space<hbm>>
      %dma_wait3A_23 = tpu.memref_slice %arg2[%mul3A_0, %mul3A_2] : memref<8x100352xi32, #tpu.memory_space<hbm>> -> memref<4x6272xi32, #tpu.memory_space<hbm>>
      tpu.wait_dma2 semaphore(%run_scoped3A : memref<!tpu.dma_semaphore, #tpu.memory_space<semaphore_mem>>) src(%dma_wait3A_23 : memref<4x6272xi32, #tpu.memory_space<hbm>>) dst(%arg4 : memref<4x6272xi32, #tpu.memory_space<vmem>>)
      tpu.yield
    }) : () -> ()
    %iota3A = tpu.iota {dimensions = array<i32: 0>} : vector<16xi32>
    %broadcast_in_dim3A = arith.constant 1 : i32
    %broadcast_in_dim3A_3 = vector.broadcast %broadcast_in_dim3A : i32 to vector<16xi32>
    %broadcast_in_dim3A_4 = arith.constant 0 : i32
    %broadcast_in_dim3A_5 = vector.broadcast %broadcast_in_dim3A_4 : i32 to vector<16xi32>
    %broadcast_in_dim3A_6 = arith.constant 15000 : i32
    %broadcast_in_dim3A_7 = vector.broadcast %broadcast_in_dim3A_6 : i32 to vector<16xi32>
    %broadcast_in_dim3A_8 = arith.constant -2147483648 : i32
    %broadcast_in_dim3A_9 = vector.broadcast %broadcast_in_dim3A_8 : i32 to vector<16xi32>
    %scan3A = arith.constant 0 : i32
    %scan3A_10 = arith.constant 32 : i32
    %scan3A_11 = arith.addi %scan3A, %scan3A_10 : i32
    %scan3A_12 = arith.constant 1 : i32
    %scan3A_13 = scf.for %scan3A_22 = %scan3A to %scan3A_11 step %scan3A_12 iter_args(%scan3A_23 = %broadcast_in_dim3A_9) -> (vector<16xi32>)  : i32 {
      %sub3A = arith.constant 31 : i32
      %sub3A_24 = arith.subi %sub3A, %scan3A_22 : i32
      %shift_left3A = arith.constant 1 : i32
      %shift_left3A_25 = arith.shli %shift_left3A, %sub3A_24 : i32
      %broadcast_in_dim3A_26 = vector.broadcast %shift_left3A_25 : i32 to vector<16xi32>
      %add3A = arith.addi %scan3A_23, %broadcast_in_dim3A_26 : vector<16xi32>
      %slice3A = vector.extract_strided_slice %add3A {offsets = [0], sizes = [1], strides = [1]} : vector<16xi32> to vector<1xi32>
      %squeeze3A = vector.extract %slice3A[0] : i32 from vector<1xi32>
      %broadcast_in_dim3A_27 = vector.broadcast %squeeze3A : i32 to vector<16xi32>
      %scan3A_28 = arith.constant 0 : i32
      %scan3A_29 = arith.constant 392 : i32
      %scan3A_30 = arith.addi %scan3A_28, %scan3A_29 : i32
      %scan3A_31 = arith.constant 1 : i32
      %scan3A_32 = scf.for %scan3A_321 = %scan3A_28 to %scan3A_30 step %scan3A_31 iter_args(%scan3A_322 = %broadcast_in_dim3A_5) -> (vector<16xi32>)  : i32 {
        %mul3A_323 = arith.constant 16 : i32
        %mul3A_324 = arith.muli %scan3A_321, %mul3A_323 : i32
        %get3A_325 = arith.constant 0 : i32
        %get3A_326 = arith.index_cast %get3A_325 : i32 to index
        %get3A_327 = arith.index_cast %mul3A_324 : i32 to index
        %get3A_328 = tpu.vector_load %arg4[%get3A_326, %get3A_327] {strides = array<i32>} : memref<4x6272xi32, #tpu.memory_space<vmem>>, vector<16xi32>,
        %ge3A_329 = arith.cmpi sge, %get3A_328, %broadcast_in_dim3A_27 : vector<16xi32>
        %select_n3A_330 = arith.select %ge3A_329, %broadcast_in_dim3A_3, %broadcast_in_dim3A_5 : vector<16xi1>, vector<16xi32>
        %add3A_331 = arith.addi %scan3A_322, %select_n3A_330 : vector<16xi32>
        scf.yield %add3A_331 : vector<16xi32>
      }
      %scan3A_33 = arith.constant 392 : i32
      %swap3A_34 = arith.constant 0 : index
      %swap3A_35 = tpu.vector_load %arg7[%swap3A_34] {strides = array<i32>} : memref<16xi32, #tpu.memory_space<vmem>>, vector<16xi32>,
      tpu.vector_store %arg7[%swap3A_34], %scan3A_32 {strides = array<i32>} : memref<16xi32, #tpu.memory_space<vmem>>, vector<16xi32>,
      %add3A_36 = arith.constant 8 : i32
      %add3A_37 = vector.broadcast %add3A_36 : i32 to vector<16xi32>
      %add3A_38 = arith.addi %iota3A, %add3A_37 : vector<16xi32>
      %and3A = arith.constant 15 : i32
      %and3A_39 = vector.broadcast %and3A : i32 to vector<16xi32>
      %and3A_40 = arith.andi %add3A_38, %and3A_39 : vector<16xi32>
      %gather3A = tpu.vector_load_idx %arg7[%and3A_40] : memref<16xi32, #tpu.memory_space<vmem>>[vector<16xi32>], vector<16xi32>,
      %add3A_41 = arith.addi %scan3A_32, %gather3A : vector<16xi32>
      %swap3A_42 = arith.constant 0 : index
      %swap3A_43 = tpu.vector_load %arg7[%swap3A_42] {strides = array<i32>} : memref<16xi32, #tpu.memory_space<vmem>>, vector<16xi32>,
      tpu.vector_store %arg7[%swap3A_42], %add3A_41 {strides = array<i32>} : memref<16xi32, #tpu.memory_space<vmem>>, vector<16xi32>,
      %add3A_44 = arith.constant 4 : i32
      %add3A_45 = vector.broadcast %add3A_44 : i32 to vector<16xi32>
      %add3A_46 = arith.addi %iota3A, %add3A_45 : vector<16xi32>
      %and3A_47 = arith.constant 15 : i32
      %and3A_48 = vector.broadcast %and3A_47 : i32 to vector<16xi32>
      %and3A_49 = arith.andi %add3A_46, %and3A_48 : vector<16xi32>
      %gather3A_50 = tpu.vector_load_idx %arg7[%and3A_49] : memref<16xi32, #tpu.memory_space<vmem>>[vector<16xi32>], vector<16xi32>,
      %add3A_51 = arith.addi %add3A_41, %gather3A_50 : vector<16xi32>
      %swap3A_52 = arith.constant 0 : index
      %swap3A_53 = tpu.vector_load %arg7[%swap3A_52] {strides = array<i32>} : memref<16xi32, #tpu.memory_space<vmem>>, vector<16xi32>,
      tpu.vector_store %arg7[%swap3A_52], %add3A_51 {strides = array<i32>} : memref<16xi32, #tpu.memory_space<vmem>>, vector<16xi32>,
      %add3A_54 = arith.constant 2 : i32
      %add3A_55 = vector.broadcast %add3A_54 : i32 to vector<16xi32>
      %add3A_56 = arith.addi %iota3A, %add3A_55 : vector<16xi32>
      %and3A_57 = arith.constant 15 : i32
      %and3A_58 = vector.broadcast %and3A_57 : i32 to vector<16xi32>
      %and3A_59 = arith.andi %add3A_56, %and3A_58 : vector<16xi32>
      %gather3A_60 = tpu.vector_load_idx %arg7[%and3A_59] : memref<16xi32, #tpu.memory_space<vmem>>[vector<16xi32>], vector<16xi32>,
      %add3A_61 = arith.addi %add3A_51, %gather3A_60 : vector<16xi32>
      %swap3A_62 = arith.constant 0 : index
      %swap3A_63 = tpu.vector_load %arg7[%swap3A_62] {strides = array<i32>} : memref<16xi32, #tpu.memory_space<vmem>>, vector<16xi32>,
      tpu.vector_store %arg7[%swap3A_62], %add3A_61 {strides = array<i32>} : memref<16xi32, #tpu.memory_space<vmem>>, vector<16xi32>,
      %add3A_64 = arith.constant 1 : i32
      %add3A_65 = vector.broadcast %add3A_64 : i32 to vector<16xi32>
      %add3A_66 = arith.addi %iota3A, %add3A_65 : vector<16xi32>
      %and3A_67 = arith.constant 15 : i32
      %and3A_68 = vector.broadcast %and3A_67 : i32 to vector<16xi32>
      %and3A_69 = arith.andi %add3A_66, %and3A_68 : vector<16xi32>
      %gather3A_70 = tpu.vector_load_idx %arg7[%and3A_69] : memref<16xi32, #tpu.memory_space<vmem>>[vector<16xi32>], vector<16xi32>,
      %add3A_71 = arith.addi %add3A_61, %gather3A_70 : vector<16xi32>
      %broadcast_in_dim3A_72 = arith.constant 0 : i32
      %broadcast_in_dim3A_73 = vector.broadcast %broadcast_in_dim3A_72 : i32 to vector<16xi32>
      %eq3A_74 = arith.cmpi eq, %iota3A, %broadcast_in_dim3A_73 : vector<16xi32>
      %select_n3A_75 = arith.select %eq3A_74, %add3A_71, %broadcast_in_dim3A_5 : vector<16xi1>, vector<16xi32>
      %slice3A_76 = vector.extract_strided_slice %add3A {offsets = [1], sizes = [1], strides = [1]} : vector<16xi32> to vector<1xi32>
      %squeeze3A_77 = vector.extract %slice3A_76[0] : i32 from vector<1xi32>
      %broadcast_in_dim3A_78 = vector.broadcast %squeeze3A_77 : i32 to vector<16xi32>
      %scan3A_79 = arith.constant 0 : i32
      %scan3A_80 = arith.constant 392 : i32
      %scan3A_81 = arith.addi %scan3A_79, %scan3A_80 : i32
      %scan3A_82 = arith.constant 1 : i32
      %scan3A_83 = scf.for %scan3A_321 = %scan3A_79 to %scan3A_81 step %scan3A_82 iter_args(%scan3A_322 = %broadcast_in_dim3A_5) -> (vector<16xi32>)  : i32 {
        %mul3A_323 = arith.constant 16 : i32
        %mul3A_324 = arith.muli %scan3A_321, %mul3A_323 : i32
        %get3A_325 = arith.constant 1 : i32
        %get3A_326 = arith.index_cast %get3A_325 : i32 to index
        %get3A_327 = arith.index_cast %mul3A_324 : i32 to index
        %get3A_328 = tpu.vector_load %arg4[%get3A_326, %get3A_327] {strides = array<i32>} : memref<4x6272xi32, #tpu.memory_space<vmem>>, vector<16xi32>,
        %ge3A_329 = arith.cmpi sge, %get3A_328, %broadcast_in_dim3A_78 : vector<16xi32>
        %select_n3A_330 = arith.select %ge3A_329, %broadcast_in_dim3A_3, %broadcast_in_dim3A_5 : vector<16xi1>, vector<16xi32>
        %add3A_331 = arith.addi %scan3A_322, %select_n3A_330 : vector<16xi32>
        scf.yield %add3A_331 : vector<16xi32>
      }
      %scan3A_84 = arith.constant 392 : i32
      %swap3A_85 = arith.constant 0 : index
      %swap3A_86 = tpu.vector_load %arg7[%swap3A_85] {strides = array<i32>} : memref<16xi32, #tpu.memory_space<vmem>>, vector<16xi32>,
      tpu.vector_store %arg7[%swap3A_85], %scan3A_83 {strides = array<i32>} : memref<16xi32, #tpu.memory_space<vmem>>, vector<16xi32>,
      %add3A_87 = arith.constant 8 : i32
      %add3A_88 = vector.broadcast %add3A_87 : i32 to vector<16xi32>
      %add3A_89 = arith.addi %iota3A, %add3A_88 : vector<16xi32>
      %and3A_90 = arith.constant 15 : i32
      %and3A_91 = vector.broadcast %and3A_90 : i32 to vector<16xi32>
      %and3A_92 = arith.andi %add3A_89, %and3A_91 : vector<16xi32>
      %gather3A_93 = tpu.vector_load_idx %arg7[%and3A_92] : memref<16xi32, #tpu.memory_space<vmem>>[vector<16xi32>], vector<16xi32>,
      %add3A_94 = arith.addi %scan3A_83, %gather3A_93 : vector<16xi32>
      %swap3A_95 = arith.constant 0 : index
      %swap3A_96 = tpu.vector_load %arg7[%swap3A_95] {strides = array<i32>} : memref<16xi32, #tpu.memory_space<vmem>>, vector<16xi32>,
      tpu.vector_store %arg7[%swap3A_95], %add3A_94 {strides = array<i32>} : memref<16xi32, #tpu.memory_space<vmem>>, vector<16xi32>,
      %add3A_97 = arith.constant 4 : i32
      %add3A_98 = vector.broadcast %add3A_97 : i32 to vector<16xi32>
      %add3A_99 = arith.addi %iota3A, %add3A_98 : vector<16xi32>
      %and3A_100 = arith.constant 15 : i32
      %and3A_101 = vector.broadcast %and3A_100 : i32 to vector<16xi32>
      %and3A_102 = arith.andi %add3A_99, %and3A_101 : vector<16xi32>
      %gather3A_103 = tpu.vector_load_idx %arg7[%and3A_102] : memref<16xi32, #tpu.memory_space<vmem>>[vector<16xi32>], vector<16xi32>,
      %add3A_104 = arith.addi %add3A_94, %gather3A_103 : vector<16xi32>
      %swap3A_105 = arith.constant 0 : index
      %swap3A_106 = tpu.vector_load %arg7[%swap3A_105] {strides = array<i32>} : memref<16xi32, #tpu.memory_space<vmem>>, vector<16xi32>,
      tpu.vector_store %arg7[%swap3A_105], %add3A_104 {strides = array<i32>} : memref<16xi32, #tpu.memory_space<vmem>>, vector<16xi32>,
      %add3A_107 = arith.constant 2 : i32
      %add3A_108 = vector.broadcast %add3A_107 : i32 to vector<16xi32>
      %add3A_109 = arith.addi %iota3A, %add3A_108 : vector<16xi32>
      %and3A_110 = arith.constant 15 : i32
      %and3A_111 = vector.broadcast %and3A_110 : i32 to vector<16xi32>
      %and3A_112 = arith.andi %add3A_109, %and3A_111 : vector<16xi32>
      %gather3A_113 = tpu.vector_load_idx %arg7[%and3A_112] : memref<16xi32, #tpu.memory_space<vmem>>[vector<16xi32>], vector<16xi32>,
      %add3A_114 = arith.addi %add3A_104, %gather3A_113 : vector<16xi32>
      %swap3A_115 = arith.constant 0 : index
      %swap3A_116 = tpu.vector_load %arg7[%swap3A_115] {strides = array<i32>} : memref<16xi32, #tpu.memory_space<vmem>>, vector<16xi32>,
      tpu.vector_store %arg7[%swap3A_115], %add3A_114 {strides = array<i32>} : memref<16xi32, #tpu.memory_space<vmem>>, vector<16xi32>,
      %add3A_117 = arith.constant 1 : i32
      %add3A_118 = vector.broadcast %add3A_117 : i32 to vector<16xi32>
      %add3A_119 = arith.addi %iota3A, %add3A_118 : vector<16xi32>
      %and3A_120 = arith.constant 15 : i32
      %and3A_121 = vector.broadcast %and3A_120 : i32 to vector<16xi32>
      %and3A_122 = arith.andi %add3A_119, %and3A_121 : vector<16xi32>
      %gather3A_123 = tpu.vector_load_idx %arg7[%and3A_122] : memref<16xi32, #tpu.memory_space<vmem>>[vector<16xi32>], vector<16xi32>,
      %add3A_124 = arith.addi %add3A_114, %gather3A_123 : vector<16xi32>
      %broadcast_in_dim3A_125 = arith.constant 1 : i32
      %broadcast_in_dim3A_126 = vector.broadcast %broadcast_in_dim3A_125 : i32 to vector<16xi32>
      %eq3A_127 = arith.cmpi eq, %iota3A, %broadcast_in_dim3A_126 : vector<16xi32>
      %select_n3A_128 = arith.select %eq3A_127, %add3A_124, %select_n3A_75 : vector<16xi1>, vector<16xi32>
      %slice3A_129 = vector.extract_strided_slice %add3A {offsets = [2], sizes = [1], strides = [1]} : vector<16xi32> to vector<1xi32>
      %squeeze3A_130 = vector.extract %slice3A_129[0] : i32 from vector<1xi32>
      %broadcast_in_dim3A_131 = vector.broadcast %squeeze3A_130 : i32 to vector<16xi32>
      %scan3A_132 = arith.constant 0 : i32
      %scan3A_133 = arith.constant 392 : i32
      %scan3A_134 = arith.addi %scan3A_132, %scan3A_133 : i32
      %scan3A_135 = arith.constant 1 : i32
      %scan3A_136 = scf.for %scan3A_321 = %scan3A_132 to %scan3A_134 step %scan3A_135 iter_args(%scan3A_322 = %broadcast_in_dim3A_5) -> (vector<16xi32>)  : i32 {
        %mul3A_323 = arith.constant 16 : i32
        %mul3A_324 = arith.muli %scan3A_321, %mul3A_323 : i32
        %get3A_325 = arith.constant 2 : i32
        %get3A_326 = arith.index_cast %get3A_325 : i32 to index
        %get3A_327 = arith.index_cast %mul3A_324 : i32 to index
        %get3A_328 = tpu.vector_load %arg4[%get3A_326, %get3A_327] {strides = array<i32>} : memref<4x6272xi32, #tpu.memory_space<vmem>>, vector<16xi32>,
        %ge3A_329 = arith.cmpi sge, %get3A_328, %broadcast_in_dim3A_131 : vector<16xi32>
        %select_n3A_330 = arith.select %ge3A_329, %broadcast_in_dim3A_3, %broadcast_in_dim3A_5 : vector<16xi1>, vector<16xi32>
        %add3A_331 = arith.addi %scan3A_322, %select_n3A_330 : vector<16xi32>
        scf.yield %add3A_331 : vector<16xi32>
      }
      %scan3A_137 = arith.constant 392 : i32
      %swap3A_138 = arith.constant 0 : index
      %swap3A_139 = tpu.vector_load %arg7[%swap3A_138] {strides = array<i32>} : memref<16xi32, #tpu.memory_space<vmem>>, vector<16xi32>,
      tpu.vector_store %arg7[%swap3A_138], %scan3A_136 {strides = array<i32>} : memref<16xi32, #tpu.memory_space<vmem>>, vector<16xi32>,
      %add3A_140 = arith.constant 8 : i32
      %add3A_141 = vector.broadcast %add3A_140 : i32 to vector<16xi32>
      %add3A_142 = arith.addi %iota3A, %add3A_141 : vector<16xi32>
      %and3A_143 = arith.constant 15 : i32
      %and3A_144 = vector.broadcast %and3A_143 : i32 to vector<16xi32>
      %and3A_145 = arith.andi %add3A_142, %and3A_144 : vector<16xi32>
      %gather3A_146 = tpu.vector_load_idx %arg7[%and3A_145] : memref<16xi32, #tpu.memory_space<vmem>>[vector<16xi32>], vector<16xi32>,
      %add3A_147 = arith.addi %scan3A_136, %gather3A_146 : vector<16xi32>
      %swap3A_148 = arith.constant 0 : index
      %swap3A_149 = tpu.vector_load %arg7[%swap3A_148] {strides = array<i32>} : memref<16xi32, #tpu.memory_space<vmem>>, vector<16xi32>,
      tpu.vector_store %arg7[%swap3A_148], %add3A_147 {strides = array<i32>} : memref<16xi32, #tpu.memory_space<vmem>>, vector<16xi32>,
      %add3A_150 = arith.constant 4 : i32
      %add3A_151 = vector.broadcast %add3A_150 : i32 to vector<16xi32>
      %add3A_152 = arith.addi %iota3A, %add3A_151 : vector<16xi32>
      %and3A_153 = arith.constant 15 : i32
      %and3A_154 = vector.broadcast %and3A_153 : i32 to vector<16xi32>
      %and3A_155 = arith.andi %add3A_152, %and3A_154 : vector<16xi32>
      %gather3A_156 = tpu.vector_load_idx %arg7[%and3A_155] : memref<16xi32, #tpu.memory_space<vmem>>[vector<16xi32>], vector<16xi32>,
      %add3A_157 = arith.addi %add3A_147, %gather3A_156 : vector<16xi32>
      %swap3A_158 = arith.constant 0 : index
      %swap3A_159 = tpu.vector_load %arg7[%swap3A_158] {strides = array<i32>} : memref<16xi32, #tpu.memory_space<vmem>>, vector<16xi32>,
      tpu.vector_store %arg7[%swap3A_158], %add3A_157 {strides = array<i32>} : memref<16xi32, #tpu.memory_space<vmem>>, vector<16xi32>,
      %add3A_160 = arith.constant 2 : i32
      %add3A_161 = vector.broadcast %add3A_160 : i32 to vector<16xi32>
      %add3A_162 = arith.addi %iota3A, %add3A_161 : vector<16xi32>
      %and3A_163 = arith.constant 15 : i32
      %and3A_164 = vector.broadcast %and3A_163 : i32 to vector<16xi32>
      %and3A_165 = arith.andi %add3A_162, %and3A_164 : vector<16xi32>
      %gather3A_166 = tpu.vector_load_idx %arg7[%and3A_165] : memref<16xi32, #tpu.memory_space<vmem>>[vector<16xi32>], vector<16xi32>,
      %add3A_167 = arith.addi %add3A_157, %gather3A_166 : vector<16xi32>
      %swap3A_168 = arith.constant 0 : index
      %swap3A_169 = tpu.vector_load %arg7[%swap3A_168] {strides = array<i32>} : memref<16xi32, #tpu.memory_space<vmem>>, vector<16xi32>,
      tpu.vector_store %arg7[%swap3A_168], %add3A_167 {strides = array<i32>} : memref<16xi32, #tpu.memory_space<vmem>>, vector<16xi32>,
      %add3A_170 = arith.constant 1 : i32
      %add3A_171 = vector.broadcast %add3A_170 : i32 to vector<16xi32>
      %add3A_172 = arith.addi %iota3A, %add3A_171 : vector<16xi32>
      %and3A_173 = arith.constant 15 : i32
      %and3A_174 = vector.broadcast %and3A_173 : i32 to vector<16xi32>
      %and3A_175 = arith.andi %add3A_172, %and3A_174 : vector<16xi32>
      %gather3A_176 = tpu.vector_load_idx %arg7[%and3A_175] : memref<16xi32, #tpu.memory_space<vmem>>[vector<16xi32>], vector<16xi32>,
      %add3A_177 = arith.addi %add3A_167, %gather3A_176 : vector<16xi32>
      %broadcast_in_dim3A_178 = arith.constant 2 : i32
      %broadcast_in_dim3A_179 = vector.broadcast %broadcast_in_dim3A_178 : i32 to vector<16xi32>
      %eq3A_180 = arith.cmpi eq, %iota3A, %broadcast_in_dim3A_179 : vector<16xi32>
      %select_n3A_181 = arith.select %eq3A_180, %add3A_177, %select_n3A_128 : vector<16xi1>, vector<16xi32>
      %slice3A_182 = vector.extract_strided_slice %add3A {offsets = [3], sizes = [1], strides = [1]} : vector<16xi32> to vector<1xi32>
      %squeeze3A_183 = vector.extract %slice3A_182[0] : i32 from vector<1xi32>
      %broadcast_in_dim3A_184 = vector.broadcast %squeeze3A_183 : i32 to vector<16xi32>
      %scan3A_185 = arith.constant 0 : i32
      %scan3A_186 = arith.constant 392 : i32
      %scan3A_187 = arith.addi %scan3A_185, %scan3A_186 : i32
      %scan3A_188 = arith.constant 1 : i32
      %scan3A_189 = scf.for %scan3A_321 = %scan3A_185 to %scan3A_187 step %scan3A_188 iter_args(%scan3A_322 = %broadcast_in_dim3A_5) -> (vector<16xi32>)  : i32 {
        %mul3A_323 = arith.constant 16 : i32
        %mul3A_324 = arith.muli %scan3A_321, %mul3A_323 : i32
        %get3A_325 = arith.constant 3 : i32
        %get3A_326 = arith.index_cast %get3A_325 : i32 to index
        %get3A_327 = arith.index_cast %mul3A_324 : i32 to index
        %get3A_328 = tpu.vector_load %arg4[%get3A_326, %get3A_327] {strides = array<i32>} : memref<4x6272xi32, #tpu.memory_space<vmem>>, vector<16xi32>,
        %ge3A_329 = arith.cmpi sge, %get3A_328, %broadcast_in_dim3A_184 : vector<16xi32>
        %select_n3A_330 = arith.select %ge3A_329, %broadcast_in_dim3A_3, %broadcast_in_dim3A_5 : vector<16xi1>, vector<16xi32>
        %add3A_331 = arith.addi %scan3A_322, %select_n3A_330 : vector<16xi32>
        scf.yield %add3A_331 : vector<16xi32>
      }
      %scan3A_190 = arith.constant 392 : i32
      %swap3A_191 = arith.constant 0 : index
      %swap3A_192 = tpu.vector_load %arg7[%swap3A_191] {strides = array<i32>} : memref<16xi32, #tpu.memory_space<vmem>>, vector<16xi32>,
      tpu.vector_store %arg7[%swap3A_191], %scan3A_189 {strides = array<i32>} : memref<16xi32, #tpu.memory_space<vmem>>, vector<16xi32>,
      %add3A_193 = arith.constant 8 : i32
      %add3A_194 = vector.broadcast %add3A_193 : i32 to vector<16xi32>
      %add3A_195 = arith.addi %iota3A, %add3A_194 : vector<16xi32>
      %and3A_196 = arith.constant 15 : i32
      %and3A_197 = vector.broadcast %and3A_196 : i32 to vector<16xi32>
      %and3A_198 = arith.andi %add3A_195, %and3A_197 : vector<16xi32>
      %gather3A_199 = tpu.vector_load_idx %arg7[%and3A_198] : memref<16xi32, #tpu.memory_space<vmem>>[vector<16xi32>], vector<16xi32>,
      %add3A_200 = arith.addi %scan3A_189, %gather3A_199 : vector<16xi32>
      %swap3A_201 = arith.constant 0 : index
      %swap3A_202 = tpu.vector_load %arg7[%swap3A_201] {strides = array<i32>} : memref<16xi32, #tpu.memory_space<vmem>>, vector<16xi32>,
      tpu.vector_store %arg7[%swap3A_201], %add3A_200 {strides = array<i32>} : memref<16xi32, #tpu.memory_space<vmem>>, vector<16xi32>,
      %add3A_203 = arith.constant 4 : i32
      %add3A_204 = vector.broadcast %add3A_203 : i32 to vector<16xi32>
      %add3A_205 = arith.addi %iota3A, %add3A_204 : vector<16xi32>
      %and3A_206 = arith.constant 15 : i32
      %and3A_207 = vector.broadcast %and3A_206 : i32 to vector<16xi32>
      %and3A_208 = arith.andi %add3A_205, %and3A_207 : vector<16xi32>
      %gather3A_209 = tpu.vector_load_idx %arg7[%and3A_208] : memref<16xi32, #tpu.memory_space<vmem>>[vector<16xi32>], vector<16xi32>,
      %add3A_210 = arith.addi %add3A_200, %gather3A_209 : vector<16xi32>
      %swap3A_211 = arith.constant 0 : index
      %swap3A_212 = tpu.vector_load %arg7[%swap3A_211] {strides = array<i32>} : memref<16xi32, #tpu.memory_space<vmem>>, vector<16xi32>,
      tpu.vector_store %arg7[%swap3A_211], %add3A_210 {strides = array<i32>} : memref<16xi32, #tpu.memory_space<vmem>>, vector<16xi32>,
      %add3A_213 = arith.constant 2 : i32
      %add3A_214 = vector.broadcast %add3A_213 : i32 to vector<16xi32>
      %add3A_215 = arith.addi %iota3A, %add3A_214 : vector<16xi32>
      %and3A_216 = arith.constant 15 : i32
      %and3A_217 = vector.broadcast %and3A_216 : i32 to vector<16xi32>
      %and3A_218 = arith.andi %add3A_215, %and3A_217 : vector<16xi32>
      %gather3A_219 = tpu.vector_load_idx %arg7[%and3A_218] : memref<16xi32, #tpu.memory_space<vmem>>[vector<16xi32>], vector<16xi32>,
      %add3A_220 = arith.addi %add3A_210, %gather3A_219 : vector<16xi32>
      %swap3A_221 = arith.constant 0 : index
      %swap3A_222 = tpu.vector_load %arg7[%swap3A_221] {strides = array<i32>} : memref<16xi32, #tpu.memory_space<vmem>>, vector<16xi32>,
      tpu.vector_store %arg7[%swap3A_221], %add3A_220 {strides = array<i32>} : memref<16xi32, #tpu.memory_space<vmem>>, vector<16xi32>,
      %add3A_223 = arith.constant 1 : i32
      %add3A_224 = vector.broadcast %add3A_223 : i32 to vector<16xi32>
      %add3A_225 = arith.addi %iota3A, %add3A_224 : vector<16xi32>
      %and3A_226 = arith.constant 15 : i32
      %and3A_227 = vector.broadcast %and3A_226 : i32 to vector<16xi32>
      %and3A_228 = arith.andi %add3A_225, %and3A_227 : vector<16xi32>
      %gather3A_229 = tpu.vector_load_idx %arg7[%and3A_228] : memref<16xi32, #tpu.memory_space<vmem>>[vector<16xi32>], vector<16xi32>,
      %add3A_230 = arith.addi %add3A_220, %gather3A_229 : vector<16xi32>
      %broadcast_in_dim3A_231 = arith.constant 3 : i32
      %broadcast_in_dim3A_232 = vector.broadcast %broadcast_in_dim3A_231 : i32 to vector<16xi32>
      %eq3A_233 = arith.cmpi eq, %iota3A, %broadcast_in_dim3A_232 : vector<16xi32>
      %select_n3A_234 = arith.select %eq3A_233, %add3A_230, %select_n3A_181 : vector<16xi1>, vector<16xi32>
      %swap3A_235 = arith.constant 0 : i32
      %swap3A_236 = arith.index_cast %swap3A_235 : i32 to index
      %swap3A_237 = arith.constant 0 : index
      %swap3A_238 = tpu.vector_load %arg5[%swap3A_236, %swap3A_237] {strides = array<i32>} : memref<1x16xi32, #tpu.memory_space<vmem>>, vector<16xi32>,
      tpu.vector_store %arg5[%swap3A_236, %swap3A_237], %select_n3A_234 {strides = array<i32>} : memref<1x16xi32, #tpu.memory_space<vmem>>, vector<16xi32>,
      "tpu.region"() ({
        %run_scoped3A = tpu.sem_alloc : memref<!tpu.dma_semaphore, #tpu.memory_space<semaphore_mem>>
        %dma_start3A = arith.constant 0 : i32
        %dma_start3A_321 = tpu.memref_slice %arg9[%arg1, %dma_start3A] : memref<16x16xi32, #tpu.memory_space<vmem_shared>> -> memref<1x16xi32, #tpu.memory_space<vmem_shared>>
        %dma_start3A_322 = arith.constant 0 : i32
        %dma_start3A_323 = tpu.memref_slice %arg9[%arg1, %dma_start3A_322] : memref<16x16xi32, #tpu.memory_space<vmem_shared>> -> memref<1x16xi32, #tpu.memory_space<vmem_shared>>
        tpu.enqueue_dma source(%arg5 : memref<1x16xi32, #tpu.memory_space<vmem>>) target(%dma_start3A_323 : memref<1x16xi32, #tpu.memory_space<vmem_shared>>) target_semaphore(%run_scoped3A : memref<!tpu.dma_semaphore, #tpu.memory_space<semaphore_mem>>)
        %dma_wait3A = arith.constant 0 : i32
        %dma_wait3A_324 = tpu.memref_slice %arg9[%arg1, %dma_wait3A] : memref<16x16xi32, #tpu.memory_space<vmem_shared>> -> memref<1x16xi32, #tpu.memory_space<vmem_shared>>
        %dma_wait3A_325 = arith.constant 0 : i32
        %dma_wait3A_326 = tpu.memref_slice %arg9[%arg1, %dma_wait3A_325] : memref<16x16xi32, #tpu.memory_space<vmem_shared>> -> memref<1x16xi32, #tpu.memory_space<vmem_shared>>
        tpu.wait_dma2 semaphore(%run_scoped3A : memref<!tpu.dma_semaphore, #tpu.memory_space<semaphore_mem>>) src(%arg5 : memref<1x16xi32, #tpu.memory_space<vmem>>) dst(%dma_wait3A_326 : memref<1x16xi32, #tpu.memory_space<vmem_shared>>)
        tpu.yield
      }) : () -> ()
      %barrier3A = arith.constant 0 : index
      tpu.barrier barrier_id(%barrier3A)
      "tpu.region"() ({
        %run_scoped3A = tpu.sem_alloc : memref<!tpu.dma_semaphore, #tpu.memory_space<semaphore_mem>>
        tpu.enqueue_dma source(%arg9 : memref<16x16xi32, #tpu.memory_space<vmem_shared>>) target(%arg6 : memref<16x16xi32, #tpu.memory_space<vmem>>) target_semaphore(%run_scoped3A : memref<!tpu.dma_semaphore, #tpu.memory_space<semaphore_mem>>)
        tpu.wait_dma2 semaphore(%run_scoped3A : memref<!tpu.dma_semaphore, #tpu.memory_space<semaphore_mem>>) src(%arg9 : memref<16x16xi32, #tpu.memory_space<vmem_shared>>) dst(%arg6 : memref<16x16xi32, #tpu.memory_space<vmem>>)
        tpu.yield
      }) : () -> ()
      %barrier3A_239 = arith.constant 0 : index
      tpu.barrier barrier_id(%barrier3A_239)
      %get3A = arith.constant 0 : i32
      %get3A_240 = arith.index_cast %get3A : i32 to index
      %get3A_241 = arith.constant 0 : index
      %get3A_242 = tpu.vector_load %arg6[%get3A_240, %get3A_241] {strides = array<i32>} : memref<16x16xi32, #tpu.memory_space<vmem>>, vector<16xi32>,
      %add3A_243 = arith.addi %broadcast_in_dim3A_5, %get3A_242 : vector<16xi32>
      %get3A_244 = arith.constant 1 : i32
      %get3A_245 = arith.index_cast %get3A_244 : i32 to index
      %get3A_246 = arith.constant 0 : index
      %get3A_247 = tpu.vector_load %arg6[%get3A_245, %get3A_246] {strides = array<i32>} : memref<16x16xi32, #tpu.memory_space<vmem>>, vector<16xi32>,
      %add3A_248 = arith.addi %add3A_243, %get3A_247 : vector<16xi32>
      %get3A_249 = arith.constant 2 : i32
      %get3A_250 = arith.index_cast %get3A_249 : i32 to index
      %get3A_251 = arith.constant 0 : index
      %get3A_252 = tpu.vector_load %arg6[%get3A_250, %get3A_251] {strides = array<i32>} : memref<16x16xi32, #tpu.memory_space<vmem>>, vector<16xi32>,
      %add3A_253 = arith.addi %add3A_248, %get3A_252 : vector<16xi32>
      %get3A_254 = arith.constant 3 : i32
      %get3A_255 = arith.index_cast %get3A_254 : i32 to index
      %get3A_256 = arith.constant 0 : index
      %get3A_257 = tpu.vector_load %arg6[%get3A_255, %get3A_256] {strides = array<i32>} : memref<16x16xi32, #tpu.memory_space<vmem>>, vector<16xi32>,
      %add3A_258 = arith.addi %add3A_253, %get3A_257 : vector<16xi32>
      %get3A_259 = arith.constant 4 : i32
      %get3A_260 = arith.index_cast %get3A_259 : i32 to index
      %get3A_261 = arith.constant 0 : index
      %get3A_262 = tpu.vector_load %arg6[%get3A_260, %get3A_261] {strides = array<i32>} : memref<16x16xi32, #tpu.memory_space<vmem>>, vector<16xi32>,
      %add3A_263 = arith.addi %add3A_258, %get3A_262 : vector<16xi32>
      %get3A_264 = arith.constant 5 : i32
      %get3A_265 = arith.index_cast %get3A_264 : i32 to index
      %get3A_266 = arith.constant 0 : index
      %get3A_267 = tpu.vector_load %arg6[%get3A_265, %get3A_266] {strides = array<i32>} : memref<16x16xi32, #tpu.memory_space<vmem>>, vector<16xi32>,
      %add3A_268 = arith.addi %add3A_263, %get3A_267 : vector<16xi32>
      %get3A_269 = arith.constant 6 : i32
      %get3A_270 = arith.index_cast %get3A_269 : i32 to index
      %get3A_271 = arith.constant 0 : index
      %get3A_272 = tpu.vector_load %arg6[%get3A_270, %get3A_271] {strides = array<i32>} : memref<16x16xi32, #tpu.memory_space<vmem>>, vector<16xi32>,
      %add3A_273 = arith.addi %add3A_268, %get3A_272 : vector<16xi32>
      %get3A_274 = arith.constant 7 : i32
      %get3A_275 = arith.index_cast %get3A_274 : i32 to index
      %get3A_276 = arith.constant 0 : index
      %get3A_277 = tpu.vector_load %arg6[%get3A_275, %get3A_276] {strides = array<i32>} : memref<16x16xi32, #tpu.memory_space<vmem>>, vector<16xi32>,
      %add3A_278 = arith.addi %add3A_273, %get3A_277 : vector<16xi32>
      %get3A_279 = arith.constant 8 : i32
      %get3A_280 = arith.index_cast %get3A_279 : i32 to index
      %get3A_281 = arith.constant 0 : index
      %get3A_282 = tpu.vector_load %arg6[%get3A_280, %get3A_281] {strides = array<i32>} : memref<16x16xi32, #tpu.memory_space<vmem>>, vector<16xi32>,
      %add3A_283 = arith.addi %add3A_278, %get3A_282 : vector<16xi32>
      %get3A_284 = arith.constant 9 : i32
      %get3A_285 = arith.index_cast %get3A_284 : i32 to index
      %get3A_286 = arith.constant 0 : index
      %get3A_287 = tpu.vector_load %arg6[%get3A_285, %get3A_286] {strides = array<i32>} : memref<16x16xi32, #tpu.memory_space<vmem>>, vector<16xi32>,
      %add3A_288 = arith.addi %add3A_283, %get3A_287 : vector<16xi32>
      %get3A_289 = arith.constant 10 : i32
      %get3A_290 = arith.index_cast %get3A_289 : i32 to index
      %get3A_291 = arith.constant 0 : index
      %get3A_292 = tpu.vector_load %arg6[%get3A_290, %get3A_291] {strides = array<i32>} : memref<16x16xi32, #tpu.memory_space<vmem>>, vector<16xi32>,
      %add3A_293 = arith.addi %add3A_288, %get3A_292 : vector<16xi32>
      %get3A_294 = arith.constant 11 : i32
      %get3A_295 = arith.index_cast %get3A_294 : i32 to index
      %get3A_296 = arith.constant 0 : index
      %get3A_297 = tpu.vector_load %arg6[%get3A_295, %get3A_296] {strides = array<i32>} : memref<16x16xi32, #tpu.memory_space<vmem>>, vector<16xi32>,
      %add3A_298 = arith.addi %add3A_293, %get3A_297 : vector<16xi32>
      %get3A_299 = arith.constant 12 : i32
      %get3A_300 = arith.index_cast %get3A_299 : i32 to index
      %get3A_301 = arith.constant 0 : index
      %get3A_302 = tpu.vector_load %arg6[%get3A_300, %get3A_301] {strides = array<i32>} : memref<16x16xi32, #tpu.memory_space<vmem>>, vector<16xi32>,
      %add3A_303 = arith.addi %add3A_298, %get3A_302 : vector<16xi32>
      %get3A_304 = arith.constant 13 : i32
      %get3A_305 = arith.index_cast %get3A_304 : i32 to index
      %get3A_306 = arith.constant 0 : index
      %get3A_307 = tpu.vector_load %arg6[%get3A_305, %get3A_306] {strides = array<i32>} : memref<16x16xi32, #tpu.memory_space<vmem>>, vector<16xi32>,
      %add3A_308 = arith.addi %add3A_303, %get3A_307 : vector<16xi32>
      %get3A_309 = arith.constant 14 : i32
      %get3A_310 = arith.index_cast %get3A_309 : i32 to index
      %get3A_311 = arith.constant 0 : index
      %get3A_312 = tpu.vector_load %arg6[%get3A_310, %get3A_311] {strides = array<i32>} : memref<16x16xi32, #tpu.memory_space<vmem>>, vector<16xi32>,
      %add3A_313 = arith.addi %add3A_308, %get3A_312 : vector<16xi32>
      %get3A_314 = arith.constant 15 : i32
      %get3A_315 = arith.index_cast %get3A_314 : i32 to index
      %get3A_316 = arith.constant 0 : index
      %get3A_317 = tpu.vector_load %arg6[%get3A_315, %get3A_316] {strides = array<i32>} : memref<16x16xi32, #tpu.memory_space<vmem>>, vector<16xi32>,
      %add3A_318 = arith.addi %add3A_313, %get3A_317 : vector<16xi32>
      %ge3A_319 = arith.cmpi sge, %add3A_318, %broadcast_in_dim3A_7 : vector<16xi32>
      %select_n3A_320 = arith.select %ge3A_319, %add3A, %scan3A_23 : vector<16xi1>, vector<16xi32>
      scf.yield %select_n3A_320 : vector<16xi32>
    }
    %scan3A_14 = arith.constant 32 : i32
    %ge3A = arith.cmpi sge, %scan3A_13, %broadcast_in_dim3A_5 : vector<16xi32>
    %broadcast_in_dim3A_15 = arith.constant 2147483647 : i32
    %broadcast_in_dim3A_16 = vector.broadcast %broadcast_in_dim3A_15 : i32 to vector<16xi32>
    %xor3A = arith.xori %scan3A_13, %broadcast_in_dim3A_16 : vector<16xi32>
    %select_n3A = arith.select %ge3A, %scan3A_13, %xor3A : vector<16xi1>, vector<16xi32>
    %bitcast_convert_type3A = tpu.bitcast %select_n3A : vector<16xi32> -> vector<16xf32>
    %swap3A = arith.constant 0 : i32
    %swap3A_17 = arith.index_cast %swap3A : i32 to index
    %swap3A_18 = arith.constant 0 : index
    %swap3A_19 = tpu.vector_load %arg8[%swap3A_17, %swap3A_18] {strides = array<i32>} : memref<1x16xf32, #tpu.memory_space<vmem>>, vector<16xf32>,
    tpu.vector_store %arg8[%swap3A_17, %swap3A_18], %bitcast_convert_type3A {strides = array<i32>} : memref<1x16xf32, #tpu.memory_space<vmem>>, vector<16xf32>,
    %eq3A = arith.constant 0 : i32
    %eq3A_20 = arith.cmpi eq, %arg1, %eq3A : i32
    %convert_element_type3A = arith.extui %eq3A_20 : i1 to i32
    %cond3A = arith.constant 0 : i32
    %cond3A_21 = arith.cmpi ne, %convert_element_type3A, %cond3A : i32
    scf.if %cond3A_21 {
      "tpu.region"() ({
        %run_scoped3A = tpu.sem_alloc : memref<!tpu.dma_semaphore, #tpu.memory_space<semaphore_mem>>
        %dma_start3A = arith.constant 0 : i32
        %dma_start3A_22 = tpu.memref_slice %arg3[%arg0, %dma_start3A] : memref<2x16xf32, #tpu.memory_space<hbm>> -> memref<1x16xf32, #tpu.memory_space<hbm>>
        %dma_start3A_23 = arith.constant 0 : i32
        %dma_start3A_24 = tpu.memref_slice %arg3[%arg0, %dma_start3A_23] : memref<2x16xf32, #tpu.memory_space<hbm>> -> memref<1x16xf32, #tpu.memory_space<hbm>>
        tpu.enqueue_dma source(%arg8 : memref<1x16xf32, #tpu.memory_space<vmem>>) target(%dma_start3A_24 : memref<1x16xf32, #tpu.memory_space<hbm>>) target_semaphore(%run_scoped3A : memref<!tpu.dma_semaphore, #tpu.memory_space<semaphore_mem>>)
        %dma_wait3A = arith.constant 0 : i32
        %dma_wait3A_25 = tpu.memref_slice %arg3[%arg0, %dma_wait3A] : memref<2x16xf32, #tpu.memory_space<hbm>> -> memref<1x16xf32, #tpu.memory_space<hbm>>
        %dma_wait3A_26 = arith.constant 0 : i32
        %dma_wait3A_27 = tpu.memref_slice %arg3[%arg0, %dma_wait3A_26] : memref<2x16xf32, #tpu.memory_space<hbm>> -> memref<1x16xf32, #tpu.memory_space<hbm>>
        tpu.wait_dma2 semaphore(%run_scoped3A : memref<!tpu.dma_semaphore, #tpu.memory_space<semaphore_mem>>) src(%arg8 : memref<1x16xf32, #tpu.memory_space<vmem>>) dst(%dma_wait3A_27 : memref<1x16xf32, #tpu.memory_space<hbm>>)
        tpu.yield
      }) : () -> ()
    } else {
    }
    return
  }
}

module attributes {stable_mosaic.version = 14 : i64} {
  func.func @_sim_kernel(%arg0: i32, %arg1: memref<2048x512xf32, #tpu.memory_space<vmem>>, %arg2: memref<16x512xf32, #tpu.memory_space<vmem>>, %arg3: memref<8x2048xf32, #tpu.memory_space<vmem>>, %arg4: memref<1x2048xf32, #tpu.memory_space<vmem>>, %arg5: memref<8x2048xi32, #tpu.memory_space<vmem>>) attributes {dimension_semantics = [#tpu.dimension_semantics<arbitrary>], iteration_bounds = array<i64: 49>, scalar_prefetch = 0 : i64, scratch_operands = 0 : i64, tpu.core_type = #tpu.core_type<tc>, window_params = [{transform_indices = @transform_0, window_bounds = array<i64: 2048, 512>}, {pipeline_mode = #tpu.pipeline_mode<synchronous>, transform_indices = @transform_1, window_bounds = array<i64: 16, 512>}, {transform_indices = @transform_2, window_bounds = array<i64: 8, 2048>}, {transform_indices = @transform_3, window_bounds = array<i64: 1, 2048>}, {transform_indices = @transform_4, window_bounds = array<i64: 8, 2048>}]} {
    %get3A = arith.constant 0 : index
    %get3A_0 = arith.constant 0 : index
    %get3A_1 = vector.load %arg1[%get3A, %get3A_0] : memref<2048x512xf32, #tpu.memory_space<vmem>>, vector<2048x512xf32>
    %get3A_2 = arith.constant 0 : index
    %get3A_3 = arith.constant 0 : index
    %get3A_4 = vector.load %arg2[%get3A_2, %get3A_3] : memref<16x512xf32, #tpu.memory_space<vmem>>, vector<16x512xf32>
    %dot_general3A = arith.constant dense<0.000000e+00> : vector<16x2048xf32>
    %dot_general3A_5 = tpu.matmul %get3A_4, %get3A_1, %dot_general3A {dimension_numbers = #tpu.dot_dimension_numbers<[1], [1], [0], [0], [0, 0, 1, 0], [], []>, transpose_lhs_hint = false} : vector<16x512xf32>, vector<2048x512xf32>, vector<16x2048xf32> -> vector<16x2048xf32>
    %slice3A = vector.extract_strided_slice %dot_general3A_5 {offsets = [0, 0], sizes = [8, 2048], strides = [1, 1]} : vector<16x2048xf32> to vector<8x2048xf32>
    %broadcast_in_dim3A = arith.constant 1.000000e+00 : f32
    %broadcast_in_dim3A_6 = vector.broadcast %broadcast_in_dim3A : f32 to vector<1x512xf32>
    %mul3A = arith.mulf %get3A_1, %get3A_1 : vector<2048x512xf32>
    %dot_general3A_7 = arith.constant dense<0.000000e+00> : vector<1x2048xf32>
    %dot_general3A_8 = tpu.matmul %broadcast_in_dim3A_6, %mul3A, %dot_general3A_7 {dimension_numbers = #tpu.dot_dimension_numbers<[1], [1], [0], [0], [0, 0, 1, 0], [], []>, transpose_lhs_hint = false} : vector<1x512xf32>, vector<2048x512xf32>, vector<1x2048xf32> -> vector<1x2048xf32>
    %sqrt3A = math.sqrt %dot_general3A_8 : vector<1x2048xf32>
    %max3A = arith.constant 9.99999996E-13 : f32
    %max3A_9 = vector.broadcast %max3A : f32 to vector<1x2048xf32>
    %max3A_10 = arith.maximumf %sqrt3A, %max3A_9 : vector<1x2048xf32>
    %div3A = arith.constant 1.000000e+00 : f32
    %div3A_11 = vector.broadcast %div3A : f32 to vector<1x2048xf32>
    %div3A_12 = arith.divf %div3A_11, %max3A_10 : vector<1x2048xf32>
    %mul3A_13 = vector.broadcast %div3A_12 : vector<1x2048xf32> to vector<8x2048xf32>
    %mul3A_14 = arith.mulf %slice3A, %mul3A_13 : vector<8x2048xf32>
    %iota3A = tpu.iota {dimensions = array<i32: 1>} : vector<8x2048xi32>
    %mul3A_15 = arith.constant 2048 : i32
    %mul3A_16 = arith.muli %arg0, %mul3A_15 : i32
    %add3A = vector.broadcast %mul3A_16 : i32 to vector<8x2048xi32>
    %add3A_17 = arith.addi %iota3A, %add3A : vector<8x2048xi32>
    %lt3A = arith.constant 100000 : i32
    %lt3A_18 = vector.broadcast %lt3A : i32 to vector<8x2048xi32>
    %lt3A_19 = arith.cmpi slt, %add3A_17, %lt3A_18 : vector<8x2048xi32>
    %jit3A = arith.constant 0xFF800000 : f32
    %broadcast_in_dim3A_20 = vector.broadcast %jit3A : f32 to vector<8x2048xf32>
    %select_n3A = arith.select %lt3A_19, %mul3A_14, %broadcast_in_dim3A_20 : vector<8x2048xi1>, vector<8x2048xf32>
    %swap3A = arith.constant 0 : index
    %swap3A_21 = arith.constant 0 : index
    %swap3A_22 = vector.load %arg3[%swap3A, %swap3A_21] : memref<8x2048xf32, #tpu.memory_space<vmem>>, vector<8x2048xf32>
    tpu.vector_store %arg3[%swap3A, %swap3A_21], %select_n3A {strides = array<i32>} : memref<8x2048xf32, #tpu.memory_space<vmem>>, vector<8x2048xf32>,
    %swap3A_23 = arith.constant 0 : index
    %swap3A_24 = arith.constant 0 : index
    %swap3A_25 = vector.load %arg4[%swap3A_23, %swap3A_24] : memref<1x2048xf32, #tpu.memory_space<vmem>>, vector<1x2048xf32>
    tpu.vector_store %arg4[%swap3A_23, %swap3A_24], %div3A_12 {strides = array<i32>} : memref<1x2048xf32, #tpu.memory_space<vmem>>, vector<1x2048xf32>,
    %bitcast_convert_type3A = tpu.bitcast %select_n3A : vector<8x2048xf32> -> vector<8x2048xi32>
    %ge3A = arith.constant 0 : i32
    %ge3A_26 = vector.broadcast %ge3A : i32 to vector<8x2048xi32>
    %ge3A_27 = arith.cmpi sge, %bitcast_convert_type3A, %ge3A_26 : vector<8x2048xi32>
    %xor3A = arith.constant 2147483647 : i32
    %xor3A_28 = vector.broadcast %xor3A : i32 to vector<8x2048xi32>
    %xor3A_29 = arith.xori %bitcast_convert_type3A, %xor3A_28 : vector<8x2048xi32>
    %select_n3A_30 = arith.select %ge3A_27, %bitcast_convert_type3A, %xor3A_29 : vector<8x2048xi1>, vector<8x2048xi32>
    %swap3A_31 = arith.constant 0 : index
    %swap3A_32 = arith.constant 0 : index
    %swap3A_33 = vector.load %arg5[%swap3A_31, %swap3A_32] : memref<8x2048xi32, #tpu.memory_space<vmem>>, vector<8x2048xi32>
    tpu.vector_store %arg5[%swap3A_31, %swap3A_32], %select_n3A_30 {strides = array<i32>} : memref<8x2048xi32, #tpu.memory_space<vmem>>, vector<8x2048xi32>,
    return
  }
  func.func @transform_0(%arg0: i32) -> (i32, i32) {
    %c0_i32 = arith.constant 0 : i32
    %c0_i32_0 = arith.constant 0 : i32
    return %arg0, %c0_i32 : i32, i32
  }
  func.func @transform_1(%arg0: i32) -> (i32, i32) {
    %c0_i32 = arith.constant 0 : i32
    %c0_i32_0 = arith.constant 0 : i32
    %c0_i32_1 = arith.constant 0 : i32
    return %c0_i32, %c0_i32_0 : i32, i32
  }
  func.func @transform_2(%arg0: i32) -> (i32, i32) {
    %c0_i32 = arith.constant 0 : i32
    %c0_i32_0 = arith.constant 0 : i32
    return %c0_i32, %arg0 : i32, i32
  }
  func.func @transform_3(%arg0: i32) -> (i32, i32) {
    %c0_i32 = arith.constant 0 : i32
    %c0_i32_0 = arith.constant 0 : i32
    return %c0_i32, %arg0 : i32, i32
  }
  func.func @transform_4(%arg0: i32) -> (i32, i32) {
    %c0_i32 = arith.constant 0 : i32
    %c0_i32_0 = arith.constant 0 : i32
    return %c0_i32, %arg0 : i32, i32
  }
}

module attributes {stable_mosaic.version = 14 : i64} {
  func.func @_support_mean_kernel(%arg0: memref<8x25x512xf32, #tpu.memory_space<vmem>>, %arg1: memref<16x512xf32, #tpu.memory_space<vmem>>) attributes {dimension_semantics = [], scalar_prefetch = 0 : i64, scratch_operands = 0 : i64, tpu.core_type = #tpu.core_type<tc>} {
    %get3A = arith.constant 0 : index
    %get3A_0 = arith.constant 0 : index
    %get3A_1 = arith.constant 0 : index
    %get3A_2 = vector.load %arg0[%get3A, %get3A_0, %get3A_1] : memref<8x25x512xf32, #tpu.memory_space<vmem>>, vector<8x25x512xf32>
    %mul3A = arith.mulf %get3A_2, %get3A_2 : vector<8x25x512xf32>
    %reduce_sum3A = arith.constant dense<0.000000e+00> : vector<8x25xf32>
    %reduce_sum3A_3 = vector.multi_reduction <add>, %mul3A, %reduce_sum3A [2] : vector<8x25x512xf32> to vector<8x25xf32>
    %broadcast_in_dim3A = vector.shape_cast %reduce_sum3A_3 : vector<8x25xf32> to vector<8x25x1xf32>
    %sqrt3A = math.sqrt %broadcast_in_dim3A : vector<8x25x1xf32>
    %max3A = arith.constant 9.99999996E-13 : f32
    %max3A_4 = vector.broadcast %max3A : f32 to vector<8x25x1xf32>
    %max3A_5 = arith.maximumf %sqrt3A, %max3A_4 : vector<8x25x1xf32>
    %div3A = arith.constant 1.000000e+00 : f32
    %div3A_6 = vector.broadcast %div3A : f32 to vector<8x25x1xf32>
    %div3A_7 = arith.divf %div3A_6, %max3A_5 : vector<8x25x1xf32>
    %mul3A_8 = vector.broadcast %div3A_7 : vector<8x25x1xf32> to vector<8x25x512xf32>
    %mul3A_9 = arith.mulf %get3A_2, %mul3A_8 : vector<8x25x512xf32>
    %reduce_sum3A_10 = arith.constant dense<0.000000e+00> : vector<8x512xf32>
    %reduce_sum3A_11 = vector.multi_reduction <add>, %mul3A_9, %reduce_sum3A_10 [1] : vector<8x25x512xf32> to vector<8x512xf32>
    %div3A_12 = arith.constant 2.500000e+01 : f32
    %div3A_13 = vector.broadcast %div3A_12 : f32 to vector<8x512xf32>
    %div3A_14 = arith.divf %reduce_sum3A_11, %div3A_13 : vector<8x512xf32>
    %mul3A_15 = arith.mulf %div3A_14, %div3A_14 : vector<8x512xf32>
    %reduce_sum3A_16 = arith.constant dense<0.000000e+00> : vector<8xf32>
    %reduce_sum3A_17 = vector.multi_reduction <add>, %mul3A_15, %reduce_sum3A_16 [1] : vector<8x512xf32> to vector<8xf32>
    %broadcast_in_dim3A_18 = vector.shape_cast %reduce_sum3A_17 : vector<8xf32> to vector<8x1xf32>
    %sqrt3A_19 = math.sqrt %broadcast_in_dim3A_18 : vector<8x1xf32>
    %max3A_20 = arith.constant 9.99999996E-13 : f32
    %max3A_21 = vector.broadcast %max3A_20 : f32 to vector<8x1xf32>
    %max3A_22 = arith.maximumf %sqrt3A_19, %max3A_21 : vector<8x1xf32>
    %div3A_23 = vector.broadcast %max3A_22 : vector<8x1xf32> to vector<8x512xf32>
    %div3A_24 = arith.divf %div3A_14, %div3A_23 : vector<8x512xf32>
    %broadcast_in_dim3A_25 = arith.constant 1.000000e+00 : f32
    %broadcast_in_dim3A_26 = vector.broadcast %broadcast_in_dim3A_25 : f32 to vector<1x512xf32>
    %broadcast_in_dim3A_27 = arith.constant 0.000000e+00 : f32
    %broadcast_in_dim3A_28 = vector.broadcast %broadcast_in_dim3A_27 : f32 to vector<7x512xf32>
    %concatenate3A = tpu.concatenate %div3A_24, %broadcast_in_dim3A_26, %broadcast_in_dim3A_28 in 0 : vector<8x512xf32>, vector<1x512xf32>, vector<7x512xf32> -> vector<16x512xf32>
    %swap3A = arith.constant 0 : index
    %swap3A_29 = arith.constant 0 : index
    %swap3A_30 = vector.load %arg1[%swap3A, %swap3A_29] : memref<16x512xf32, #tpu.memory_space<vmem>>, vector<16x512xf32>
    tpu.vector_store %arg1[%swap3A, %swap3A_29], %concatenate3A {strides = array<i32>} : memref<16x512xf32, #tpu.memory_space<vmem>>, vector<16x512xf32>,
    return
  }
}

module attributes {stable_mosaic.version = 14 : i64} {
  func.func @_combine_kernel(%arg0: i32, %arg1: memref<2048x512xf32, #tpu.memory_space<vmem>>, %arg2: memref<8x2048xf32, #tpu.memory_space<vmem>>, %arg3: memref<1x2048xf32, #tpu.memory_space<vmem>>, %arg4: memref<8x128xf32, #tpu.memory_space<vmem>>, %arg5: memref<8x512xf32, #tpu.memory_space<vmem>>) attributes {dimension_semantics = [#tpu.dimension_semantics<arbitrary>], iteration_bounds = array<i64: 49>, scalar_prefetch = 0 : i64, scratch_operands = 0 : i64, tpu.core_type = #tpu.core_type<tc>, window_params = [{transform_indices = @transform_0, window_bounds = array<i64: 2048, 512>}, {transform_indices = @transform_1, window_bounds = array<i64: 8, 2048>}, {transform_indices = @transform_2, window_bounds = array<i64: 1, 2048>}, {pipeline_mode = #tpu.pipeline_mode<synchronous>, transform_indices = @transform_3, window_bounds = array<i64: 8, 128>}, {pipeline_mode = #tpu.pipeline_mode<synchronous>, transform_indices = @transform_4, window_bounds = array<i64: 8, 512>}]} {
    %eq3A = arith.constant 0 : i32
    %eq3A_0 = arith.cmpi eq, %arg0, %eq3A : i32
    %convert_element_type3A = arith.extui %eq3A_0 : i1 to i32
    %cond3A = arith.constant 0 : i32
    %cond3A_1 = arith.cmpi ne, %convert_element_type3A, %cond3A : i32
    scf.if %cond3A_1 {
      %broadcast_in_dim3A_21 = arith.constant 0.000000e+00 : f32
      %broadcast_in_dim3A_22 = vector.broadcast %broadcast_in_dim3A_21 : f32 to vector<8x512xf32>
      %swap3A_23 = arith.constant 0 : index
      %swap3A_24 = arith.constant 0 : index
      %swap3A_25 = vector.load %arg5[%swap3A_23, %swap3A_24] : memref<8x512xf32, #tpu.memory_space<vmem>>, vector<8x512xf32>
      tpu.vector_store %arg5[%swap3A_23, %swap3A_24], %broadcast_in_dim3A_22 {strides = array<i32>} : memref<8x512xf32, #tpu.memory_space<vmem>>, vector<8x512xf32>,
    } else {
    }
    %get3A = arith.constant 0 : index
    %get3A_2 = arith.constant 0 : index
    %get3A_3 = vector.load %arg1[%get3A, %get3A_2] : memref<2048x512xf32, #tpu.memory_space<vmem>>, vector<2048x512xf32>
    %get3A_4 = arith.constant 0 : index
    %get3A_5 = arith.constant 0 : index
    %get3A_6 = vector.load %arg2[%get3A_4, %get3A_5] : memref<8x2048xf32, #tpu.memory_space<vmem>>, vector<8x2048xf32>
    %get3A_7 = arith.constant 0 : index
    %get3A_8 = arith.constant 0 : index
    %get3A_9 = vector.load %arg4[%get3A_7, %get3A_8] : memref<8x128xf32, #tpu.memory_space<vmem>>, vector<8x1xf32>
    %ge3A = vector.broadcast %get3A_9 : vector<8x1xf32> to vector<8x2048xf32>
    %ge3A_10 = arith.cmpf oge, %get3A_6, %ge3A : vector<8x2048xf32>
    %sqrt3A = math.sqrt %get3A_6 : vector<8x2048xf32>
    %jit3A = arith.constant 0.000000e+00 : f32
    %broadcast_in_dim3A = vector.broadcast %jit3A : f32 to vector<8x2048xf32>
    %select_n3A = arith.select %ge3A_10, %sqrt3A, %broadcast_in_dim3A : vector<8x2048xi1>, vector<8x2048xf32>
    %get3A_11 = arith.constant 0 : index
    %get3A_12 = arith.constant 0 : index
    %get3A_13 = vector.load %arg3[%get3A_11, %get3A_12] : memref<1x2048xf32, #tpu.memory_space<vmem>>, vector<1x2048xf32>
    %mul3A = vector.broadcast %get3A_13 : vector<1x2048xf32> to vector<8x2048xf32>
    %mul3A_14 = arith.mulf %select_n3A, %mul3A : vector<8x2048xf32>
    %get3A_15 = arith.constant 0 : index
    %get3A_16 = arith.constant 0 : index
    %get3A_17 = vector.load %arg5[%get3A_15, %get3A_16] : memref<8x512xf32, #tpu.memory_space<vmem>>, vector<8x512xf32>
    %dot_general3A = arith.constant dense<0.000000e+00> : vector<8x512xf32>
    %dot_general3A_18 = tpu.matmul %mul3A_14, %get3A_3, %dot_general3A {dimension_numbers = #tpu.dot_dimension_numbers<[1], [0], [0], [1], [0, 0, 1, 1], [], []>, transpose_lhs_hint = false} : vector<8x2048xf32>, vector<2048x512xf32>, vector<8x512xf32> -> vector<8x512xf32>
    %add3A = arith.addf %get3A_17, %dot_general3A_18 : vector<8x512xf32>
    %swap3A = arith.constant 0 : index
    %swap3A_19 = arith.constant 0 : index
    %swap3A_20 = vector.load %arg5[%swap3A, %swap3A_19] : memref<8x512xf32, #tpu.memory_space<vmem>>, vector<8x512xf32>
    tpu.vector_store %arg5[%swap3A, %swap3A_19], %add3A {strides = array<i32>} : memref<8x512xf32, #tpu.memory_space<vmem>>, vector<8x512xf32>,
    return
  }
  func.func @transform_0(%arg0: i32) -> (i32, i32) {
    %c0_i32 = arith.constant 0 : i32
    %c0_i32_0 = arith.constant 0 : i32
    return %arg0, %c0_i32 : i32, i32
  }
  func.func @transform_1(%arg0: i32) -> (i32, i32) {
    %c0_i32 = arith.constant 0 : i32
    %c0_i32_0 = arith.constant 0 : i32
    return %c0_i32, %arg0 : i32, i32
  }
  func.func @transform_2(%arg0: i32) -> (i32, i32) {
    %c0_i32 = arith.constant 0 : i32
    %c0_i32_0 = arith.constant 0 : i32
    return %c0_i32, %arg0 : i32, i32
  }
  func.func @transform_3(%arg0: i32) -> (i32, i32) {
    %c0_i32 = arith.constant 0 : i32
    %c0_i32_0 = arith.constant 0 : i32
    %c0_i32_1 = arith.constant 0 : i32
    return %c0_i32, %c0_i32_0 : i32, i32
  }
  func.func @transform_4(%arg0: i32) -> (i32, i32) {
    %c0_i32 = arith.constant 0 : i32
    %c0_i32_0 = arith.constant 0 : i32
    %c0_i32_1 = arith.constant 0 : i32
    return %c0_i32, %c0_i32_0 : i32, i32
  }
}

module attributes {stable_mosaic.version = 14 : i64} {
  func.func @_project_kernel(%arg0: i32, %arg1: memref<1x1024x512xf32, #tpu.memory_space<vmem>>, %arg2: memref<1x1x512xf32, #tpu.memory_space<vmem>>, %arg3: memref<1x1024x512xf32, #tpu.memory_space<vmem>>) attributes {dimension_semantics = [#tpu.dimension_semantics<arbitrary>], iteration_bounds = array<i64: 8>, scalar_prefetch = 0 : i64, scratch_operands = 0 : i64, tpu.core_type = #tpu.core_type<tc>, window_params = [{transform_indices = @transform_0, window_bounds = array<i64: 1, 1024, 512>}, {transform_indices = @transform_1, window_bounds = array<i64: 1, 1, 512>}, {transform_indices = @transform_2, window_bounds = array<i64: 1, 1024, 512>}]} {
    %get3A = arith.constant 0 : index
    %get3A_0 = arith.constant 0 : index
    %get3A_1 = arith.constant 0 : index
    %get3A_2 = vector.load %arg1[%get3A, %get3A_0, %get3A_1] : memref<1x1024x512xf32, #tpu.memory_space<vmem>>, vector<1x1024x512xf32>
    %get3A_3 = vector.shape_cast %get3A_2 : vector<1x1024x512xf32> to vector<1024x512xf32>
    %get3A_4 = arith.constant 0 : index
    %get3A_5 = arith.constant 0 : index
    %get3A_6 = arith.constant 0 : index
    %get3A_7 = vector.load %arg2[%get3A_4, %get3A_5, %get3A_6] : memref<1x1x512xf32, #tpu.memory_space<vmem>>, vector<1x1x512xf32>
    %get3A_8 = vector.shape_cast %get3A_7 : vector<1x1x512xf32> to vector<1x512xf32>
    %mul3A = arith.mulf %get3A_8, %get3A_8 : vector<1x512xf32>
    %reduce_sum3A = arith.constant dense<0.000000e+00> : vector<1xf32>
    %reduce_sum3A_9 = vector.multi_reduction <add>, %mul3A, %reduce_sum3A [1] : vector<1x512xf32> to vector<1xf32>
    %broadcast_in_dim3A = vector.shape_cast %reduce_sum3A_9 : vector<1xf32> to vector<1x1xf32>
    %sqrt3A = math.sqrt %broadcast_in_dim3A : vector<1x1xf32>
    %max3A = arith.constant 9.99999996E-13 : f32
    %max3A_10 = vector.broadcast %max3A : f32 to vector<1x1xf32>
    %max3A_11 = arith.maximumf %sqrt3A, %max3A_10 : vector<1x1xf32>
    %div3A = vector.broadcast %max3A_11 : vector<1x1xf32> to vector<1x512xf32>
    %div3A_12 = arith.divf %get3A_8, %div3A : vector<1x512xf32>
    %mul3A_13 = arith.mulf %get3A_3, %get3A_3 : vector<1024x512xf32>
    %reduce_sum3A_14 = arith.constant dense<0.000000e+00> : vector<1024xf32>
    %reduce_sum3A_15 = vector.multi_reduction <add>, %mul3A_13, %reduce_sum3A_14 [1] : vector<1024x512xf32> to vector<1024xf32>
    %broadcast_in_dim3A_16 = vector.shape_cast %reduce_sum3A_15 : vector<1024xf32> to vector<1024x1xf32>
    %sqrt3A_17 = math.sqrt %broadcast_in_dim3A_16 : vector<1024x1xf32>
    %max3A_18 = arith.constant 9.99999996E-13 : f32
    %max3A_19 = vector.broadcast %max3A_18 : f32 to vector<1024x1xf32>
    %max3A_20 = arith.maximumf %sqrt3A_17, %max3A_19 : vector<1024x1xf32>
    %div3A_21 = arith.constant 1.000000e+00 : f32
    %div3A_22 = vector.broadcast %div3A_21 : f32 to vector<1024x1xf32>
    %div3A_23 = arith.divf %div3A_22, %max3A_20 : vector<1024x1xf32>
    %mul3A_24 = vector.broadcast %div3A_23 : vector<1024x1xf32> to vector<1024x512xf32>
    %mul3A_25 = arith.mulf %get3A_3, %mul3A_24 : vector<1024x512xf32>
    %mul3A_26 = vector.broadcast %div3A_12 : vector<1x512xf32> to vector<1024x512xf32>
    %mul3A_27 = arith.mulf %mul3A_25, %mul3A_26 : vector<1024x512xf32>
    %reduce_sum3A_28 = arith.constant dense<0.000000e+00> : vector<1024xf32>
    %reduce_sum3A_29 = vector.multi_reduction <add>, %mul3A_27, %reduce_sum3A_28 [1] : vector<1024x512xf32> to vector<1024xf32>
    %broadcast_in_dim3A_30 = vector.shape_cast %reduce_sum3A_29 : vector<1024xf32> to vector<1024x1xf32>
    %mul3A_31 = vector.broadcast %broadcast_in_dim3A_30 : vector<1024x1xf32> to vector<1024x512xf32>
    %mul3A_32 = vector.broadcast %div3A_12 : vector<1x512xf32> to vector<1024x512xf32>
    %mul3A_33 = arith.mulf %mul3A_31, %mul3A_32 : vector<1024x512xf32>
    %sub3A = arith.subf %mul3A_25, %mul3A_33 : vector<1024x512xf32>
    %mul3A_34 = arith.mulf %sub3A, %sub3A : vector<1024x512xf32>
    %reduce_sum3A_35 = arith.constant dense<0.000000e+00> : vector<1024xf32>
    %reduce_sum3A_36 = vector.multi_reduction <add>, %mul3A_34, %reduce_sum3A_35 [1] : vector<1024x512xf32> to vector<1024xf32>
    %broadcast_in_dim3A_37 = vector.shape_cast %reduce_sum3A_36 : vector<1024xf32> to vector<1024x1xf32>
    %sqrt3A_38 = math.sqrt %broadcast_in_dim3A_37 : vector<1024x1xf32>
    %max3A_39 = arith.constant 9.99999996E-13 : f32
    %max3A_40 = vector.broadcast %max3A_39 : f32 to vector<1024x1xf32>
    %max3A_41 = arith.maximumf %sqrt3A_38, %max3A_40 : vector<1024x1xf32>
    %div3A_42 = vector.broadcast %max3A_41 : vector<1024x1xf32> to vector<1024x512xf32>
    %div3A_43 = arith.divf %sub3A, %div3A_42 : vector<1024x512xf32>
    %swap3A = arith.constant 0 : index
    %swap3A_44 = arith.constant 0 : index
    %swap3A_45 = arith.constant 0 : index
    %swap3A_46 = vector.load %arg3[%swap3A, %swap3A_44, %swap3A_45] : memref<1x1024x512xf32, #tpu.memory_space<vmem>>, vector<1x1024x512xf32>
    %swap3A_47 = vector.shape_cast %swap3A_46 : vector<1x1024x512xf32> to vector<1024x512xf32>
    %swap3A_48 = vector.shape_cast %div3A_43 : vector<1024x512xf32> to vector<1x1024x512xf32>
    tpu.vector_store %arg3[%swap3A, %swap3A_44, %swap3A_45], %swap3A_48 {strides = array<i32>} : memref<1x1024x512xf32, #tpu.memory_space<vmem>>, vector<1x1024x512xf32>,
    return
  }
  func.func @transform_0(%arg0: i32) -> (i32, i32, i32) {
    %c0_i32 = arith.constant 0 : i32
    %c0_i32_0 = arith.constant 0 : i32
    %c0_i32_1 = arith.constant 0 : i32
    return %arg0, %c0_i32, %c0_i32_0 : i32, i32, i32
  }
  func.func @transform_1(%arg0: i32) -> (i32, i32, i32) {
    %c0_i32 = arith.constant 0 : i32
    %c0_i32_0 = arith.constant 0 : i32
    %c0_i32_1 = arith.constant 0 : i32
    return %arg0, %c0_i32, %c0_i32_0 : i32, i32, i32
  }
  func.func @transform_2(%arg0: i32) -> (i32, i32, i32) {
    %c0_i32 = arith.constant 0 : i32
    %c0_i32_0 = arith.constant 0 : i32
    %c0_i32_1 = arith.constant 0 : i32
    return %arg0, %c0_i32, %c0_i32_0 : i32, i32, i32
  }
}

</mosaic_0001>

<sc_bundles>
// kernel: kernel.7.cloned.1.call-start
scs
__scs_entry_jumppad:
0x0: {  	(pc) =	sbr.rel $0x88, $3  }
0x1: {  	(tag) =	ssettag $0x0;
	lr =	simm.s32 $0x1  }
0x2: {  	[smem:$0x3F9F] =	sst lr;
	_ =	strace $0xD0000000  }
0x3: {  	_ = 	snop  }
0x4: {  	_ = 	snop  }
0x5: {  	_ = 	snop  }
0x6: {  	_ = 	snop  }
0x7: {  	_ = 	snop  }
__scs_overlays_trampoline_lowered:
0x8: {  	[smem:$0x3FAE] =	sst s0  }
0x9: {  	[smem:$0x3FAF] =	sst s1  }
0xa: {  	[smem:$0x3FB0] =	sst s2  }
0xb: {  	[smem:$0x3FB1] =	sst s3  }
0xc: {  	[smem:$0x3FB2] =	sst s4  }
0xd: {  	[smem:$0x3FB3] =	sst s5  }
0xe: {  	[smem:$0x3FB4] =	sst s6  }
0xf: {  	[smem:$0x3FB5] =	sst s7  }
0x10: {  	[smem:$0x3FB6] =	sst s8  }
0x11: {  	[smem:$0x3FB7] =	sst s9;
	s0 =	simm.s32 @!p0 $0x0  }
0x12: {  	s1 =	sld [smem:$0x3F9D];
	s0 =	simm.s32 @p0 $0x1  }
0x13: {  	[smem:$0x3FB8] =	sst s0;
	s0 =	simm.s32 @!p1 $0x0  }
0x14: {  	s2 =	sld [smem:$0x3F9C];
	s0 =	simm.s32 @p1 $0x1  }
0x15: {  	[smem:$0x3FB9] =	sst s0;
	s0 =	simm.s32 @!p2 $0x0  }
0x16: {  	s3 =	sld [smem:$0x3FDB];
	s0 =	simm.s32 @p2 $0x1  }
0x17: {  	s4 =	simm.s32 $0x1BF5;
	[smem:$0x3FBB] =	sst s0  }
0x18: {  	s0 =	sld [smem:$0x3F9E];
	_ =	swait.ge [sflag:s4], $0x0  }
0x19: {  	s7 =	sld [smem:$0x3F9F]  }
0x1a: {  	s8 =	sadd.s32 $0xFFFFE003, lr  }
0x1b: {  	s9 =	sadd.s32 $0xFFFFFEF7, lr;
	s5 =	simm.s32 $0xFFFFFFFF;
	p2 =	slt.u32 s8, $0xFFFFF086  }
0x1c: {  	p1 =	slt.u32 s9, $0xF7A;
	s5 =	simm.s32 @!p2 $0x0  }
0x1d: {  	s5 =	simm.s32 @p1 $0x1;
	p0 =	seq.s32 s7, s2  }
0x1e: {  	s7 =	smul.u32 @!p0 $0xF7A, s2;
	p2 =	seq.s32 @!p0 s5, $0x0  }
0x1f: {  	s9 =	smul.u32 $0xF7A, s1;
	s8 =	simm.s32 @!p0 $0x1BF5;
	p2 =	por !p2, p0  }
0x20: {  	[sflag:s8] =	ssyncset.s32 @!p0 $0xFFFFF086;
	s6 =	sadd.s32 @!p0 s3, s7;
	s7 =	simm.s32 @!p0 $0x108  }
0x21: {  	s3 =	sadd.s32 s3, s9;
	s6 =	sadd.s32 @!p0 $0x88, s6;
	s7 =	simm.s32 @p2 $0x1082  }
0x22: {  	[simem:s7], [sflag:s8] =	dma.local @!p0 [hbm:s6], $0xF7A  }
0x23: {  	s9 =	sor.u32 $0xD0000000, s2;
	s6 =	simm.s32 $0x108;
	_ =	swait.ge @!p0 [sflag:s8], $0x0  }
0x24: {  	s3 =	sadd.s32 $0x88, s3;
	s6 =	simm.s32 @!p1 $0x1082;
	[sflag:s4] =	ssyncset.s32 $0xFFFFF086  }
0x25: {  	[simem:s6], [sflag:s4] =	dma.local [hbm:s3], $0xF7A  }
0x26: {  	[smem:$0x3F9F] =	sst s1;
	(tag) =	ssettag s2;
	_ =	strace s9  }
0x27: {  	s1 =	sld [smem:$0x3FAF]  }
0x28: {  	s2 =	sld [smem:$0x3FB0]  }
0x29: {  	s4 =	sld [smem:$0x3FB2]  }
0x2a: {  	p0 =	seq.s32 s5, $0x0;
	s5 =	sld [smem:$0x3FB3]  }
0x2b: {  	s6 =	sld [smem:$0x3FB4]  }
0x2c: {  	s7 =	sld [smem:$0x3FB5]  }
0x2d: {  	s3 =	simm.s32 $0x108;
	s8 =	sld [smem:$0x3FB6]  }
0x2e: {  	s3 =	simm.s32 @!p0 $0x1082;
	s9 =	sld [smem:$0x3FB7]  }
0x2f: {  	lr =	sadd.s32 s0, s3;
	s0 =	sld [smem:$0x3FAE]  }
0x30: {  	s3 =	sld [smem:$0x3FB1]  }
0x31: {  	[smem:$0x3FBA] =	sst s10  }
0x32: {  	s10 =	sld [smem:$0x3FB8];
	_ =	sdelay $0x3  }
0x33: {  	p0 =	seq.s32 s10, $0x1;
	s10 =	sld [smem:$0x3FBA];
	_ =	sdelay $0x3  }
0x34: {  	[smem:$0x3FBA] =	sst s10  }
0x35: {  	s10 =	sld [smem:$0x3FB9];
	_ =	sdelay $0x3  }
0x36: {  	p1 =	seq.s32 s10, $0x1;
	s10 =	sld [smem:$0x3FBA];
	_ =	sdelay $0x3  }
0x37: {  	[smem:$0x3FBA] =	sst s10  }
0x38: {  	s10 =	sld [smem:$0x3FBB]  }
0x39: {  	_ = 	snop;
	(pc) =	sbr.ind lr, $3  }
0x3a: {  	_ = 	snop  }
0x3b: {  	_ = 	snop  }
0x3c: {  	p2 =	seq.s32 s10, $0x1;
	s10 =	sld [smem:$0x3FBA]  }
0x3d: {  	_ =	shalt  }
0x3e: {  	_ =	shalt  }
0x3f: {  	_ =	shalt  }
0x40: {  	_ =	shalt  }
0x41: {  	_ =	shalt  }
0x42: {  	_ =	shalt  }
0x43: {  	_ =	shalt  }
0x44: {  	_ =	shalt  }
0x45: {  	_ =	shalt  }
0x46: {  	_ =	shalt  }
0x47: {  	_ =	shalt  }
0x48: {  	_ =	shalt  }
0x49: {  	_ =	shalt  }
0x4a: {  	_ =	shalt  }
0x4b: {  	_ =	shalt  }
0x4c: {  	_ =	shalt  }
0x4d: {  	_ =	shalt  }
0x4e: {  	_ =	shalt  }
0x4f: {  	_ =	shalt  }
0x50: {  	_ =	shalt  }
0x51: {  	_ =	shalt  }
0x52: {  	_ =	shalt  }
0x53: {  	_ =	shalt  }
0x54: {  	_ =	shalt  }
0x55: {  	_ =	shalt  }
0x56: {  	_ =	shalt  }
0x57: {  	_ =	shalt  }
0x58: {  	_ =	shalt  }
0x59: {  	_ =	shalt  }
0x5a: {  	_ =	shalt  }
0x5b: {  	_ =	shalt  }
0x5c: {  	_ =	shalt  }
0x5d: {  	_ =	shalt  }
0x5e: {  	_ =	shalt  }
0x5f: {  	_ =	shalt  }
0x60: {  	_ =	shalt  }
0x61: {  	_ =	shalt  }
0x62: {  	_ =	shalt  }
0x63: {  	_ =	shalt  }
0x64: {  	_ =	shalt  }
0x65: {  	_ =	shalt  }
0x66: {  	_ =	shalt  }
0x67: {  	_ =	shalt  }
0x68: {  	_ =	shalt  }
0x69: {  	_ =	shalt  }
0x6a: {  	_ =	shalt  }
0x6b: {  	_ =	shalt  }
0x6c: {  	_ =	shalt  }
0x6d: {  	_ =	shalt  }
0x6e: {  	_ =	shalt  }
0x6f: {  	_ =	shalt  }
0x70: {  	_ =	shalt  }
0x71: {  	_ =	shalt  }
0x72: {  	_ =	shalt  }
0x73: {  	_ =	shalt  }
0x74: {  	_ =	shalt  }
0x75: {  	_ =	shalt  }
0x76: {  	_ =	shalt  }
0x77: {  	_ =	shalt  }
0x78: {  	_ =	shalt  }
0x79: {  	_ =	shalt  }
0x7a: {  	_ =	shalt  }
0x7b: {  	_ =	shalt  }
0x7c: {  	_ =	shalt  }
0x7d: {  	_ =	shalt  }
0x7e: {  	_ =	shalt  }
0x7f: {  	_ =	shalt  }
0x80: {  	_ =	shalt  }
0x81: {  	_ =	shalt  }
0x82: {  	_ =	shalt  }
0x83: {  	_ =	shalt  }
0x84: {  	_ =	shalt  }
0x85: {  	_ =	shalt  }
0x86: {  	_ =	shalt  }
0x87: {  	_ =	shalt  }
.Lfunc_end0:
.L_simem_size_0:
called_computation_lowered:
.L_overlay_start_0:
0x88: {  	s2 =	sld [smem:$0x3FD9]  }
0x89: {  	s3 =	sld [smem:$0x3FFE];
	_ =	sdelay $0x1  }
0x8a: {  	s1 =	srdreg.scid  }
0x8b: {  	s0 =	sand.u32 $0x1, s1  }
0x8c: {  	s17 =	sshll.u32 s0, $0xA;
	s2 =	sadd.s32 s3, s2  }
0x8d: {  	s2 =	sadd.s32 s2, s17  }
0x8e: {  	[smem:$0x3FC6] =	sst s2  }
0x8f: {  	_ = 	snop  }
0x90: {  	s2 =	sld [smem:$0x3FD0];
	(tm) =	ssettm $0x1  }
0x91: {  	s18 =	sld [smem:$0x3FFB];
	_ =	sdelay $0x3  }
0x92: {  	_ =	strace s18  }
0x93: {  	s3 =	sld [smem:$0x3FFC];
	_ =	sdelay $0x3  }
0x94: {  	_ =	strace s3  }
0x95: {  	s3 =	sld [smem:$0x3FFD];
	_ =	sdelay $0x3  }
0x96: {  	_ =	strace s3  }
0x97: {  	_ =	strace $0x8FFFFFFF  }
0x98: {  	s19 =	sld [smem:$0x3FDB];
	_ =	sdelay $0x1  }
0x99: {  	s4 =	simm.s32 $_scs_section_size  }
0x9a: {  	s5 =	simm.s32 $_size__tile_overlayer_lowered;
	s6 =	simm.s32 $_tile_overlayer_lowered  }
0x9b: {  	s22 =	simm.s32 $0x1BFF;
	s21 =	sshll.u32 s6, $0x1;
	s3 =	sadd.s32 s4, s19  }
0x9c: {  	s7 =	simm.s32 $0x0;
	s20 =	sshll.u32 s5, $0x1;
	s5 =	sadd.s32 s21, s3  }
0x9d: {  	[timem:s7], [sflag:s22] =	dma.local [hbm:s5], s20  }
0x9e: {  	_ =	swait.ge [sflag:s22], s20  }
0x9f: {  	s4 =	ssub.s32 $0x0, s20;
	[sflag:s22] =	ssyncset.done $0x0  }
0xa0: {  	[sflag:s22] =	ssyncadd.s32 s4;
	_ =	sdelay $0x1  }
0xa1: {  	s23 =	simm.s32 $0x1B8B  }
0xa2: {  	_ =	swait.ge [sflag:s23], $0x1  }
0xa3: {  	[sflag:s23] =	ssyncset.done $0x0  }
0xa4: {  	s25 =	simm.s32 $0x1B8E;
	s24 =	sld [smem:$0x3FFE];
	[sflag:s23] =	ssyncadd.s32 $0xFFFFFFFF  }
0xa5: {  	s26 =	simm.s32 $execute0_lowered;
	[smem:$0x3FD2] =	sst s25  }
0xa6: {  	s5 =	sshll.u32 s26, $0x1;
	_ =	strace $0x80000046;
	[dreg:$0x1] =	wrdreg $0xFFFFFFFF  }
0xa7: {  	s28 =	simm.s32 $_size_execute0_lowered;
	s3 =	sadd.s32 s3, s5;
	[dreg:$0x0] =	wrdreg $0x0  }
0xa8: {  	s5 =	sshll.u32 s28, $0x1;
	[dreg:$0x2] =	wrdreg s3  }
0xa9: {  	[dreg:$0x3] =	wrdreg s5  }
0xaa: {  	[dreg:$0x4] =	wrdreg $0xC0  }
0xab: {  	_ =	task [dreg:s7], $0x5FFFF  }
0xac: {  	[dreg:$0x1] =	wrdreg $0xFFFFFFFF  }
0xad: {  	[dreg:$0x0] =	wrdreg $0x60  }
0xae: {  	[dreg:$0x2] =	wrdreg s2  }
0xaf: {  	[dreg:$0x3] =	wrdreg s24  }
0xb0: {  	[dreg:$0x4] =	wrdreg $0x6B800  }
0xb1: {  	[dreg:$0x5] =	wrdreg $0x9  }
0xb2: {  	_ =	task.clear_ibuf [dreg:s7], $0x6FFFF;
	_ =	strace $0x90000046  }
0xb3: {  	s29 =	simm.s32 $0x9;
	_ =	strace $0x80000048  }
0xb4: {  	_ =	swait.ge [sflag:s29], $0x1  }
0xb5: {  	[sflag:s29] =	ssyncadd.s32 $0xFFFFFFFF  }
0xb6: {  	_ =	strace $0x90000048  }
0xb7: {  	_ =	sfence  }
0xb8: {  	s30 =	sld [smem:$0x0];
	_ =	sdelay $0x2  }
0xb9: {  	s31 =	sshll.u32 s1, $0xD;
	s1 =	sshrl.u32 s1, $0x2  }
0xba: {  	s3 =	sand.u32 $0x4000, s31;
	s1 =	sadd.s32 s1, s30  }
0xbb: {  	s0 =	sor.u32 s3, s0;
	s1 =	sshll.u32 s1, $0x11  }
0xbc: {  	s0 =	sor.u32 s1, s0  }
0xbd: {  	s0 =	sadd.s32 $0x8F2B, s0  }
0xbe: {  	[sflag:s0] =	ssyncadd.remote.s32 $0x1  }
0xbf: {  	_ =	sfence.sel $0xFFFF  }
0xc0: {  	[dreg:$0x0] =	wrdreg $0xFFFFFFFF;
	(pc) =	sbr.abs _section_cstart, $3  }
0xc1: {  	[dreg:$0x1] =	wrdreg $0xFFFFFFFF  }
0xc2: {  	_ =	task.clear_ibuf [dreg:s7], $0x2FFFF;
	_ =	strace $0x9FFFFFFF  }
0xc3: {  	(tm) =	ssettm $0x7FFFFFFF  }
tec
execute0_lowered:
.L_overlay_start_1:
0x0: {  	(tag) =	ssettag $0x1  }
0x1: {  	v0 =	vimm.s32 $0xFEDCBA98;
	s3 =	rddreg [dreg:$0x0]  }
0x2: {  	s4 =	rddreg [dreg:$0x1];
	v1 =	vimm.s32 $0x76543210;
	v2 =	vimm.s32 $0x3210FEDC;
	v3 =	vimm.s32 $0xBA987654  }
0x3: {  	s1 =	rddreg [dreg:$0x2];
	v4 =	vimm.s32 $0x10FEDCBA;
	v5 =	vimm.s32 $0x98765432;
	v6 =	vimm.s32 $0xFEDCBA9  }
0x4: {  	s0 =	simm.s32 $0x0;
	s14 =	stileid.u32;
	s5 =	srdreg.scid;
	v7 =	vimm.s32 $0x87654321;
	vm0 =	vmmov $0x1;
	vm1 =	vcmask $0x310  }
0x5: {  	s2 =	rddreg [dreg:$0x3];
	s9 =	simm.s32 $0x1;
	s10 =	simm.s32 $0x80000000;
	v0 =	vunpack.c.l.s4.s8 v0;
	v1 =	vunpack.c.l.s4.s8 v1;
	v2 =	vunpack.c.l.s4.s8 v2  }
0x6: {  	s11 =	simm.s32 $0x6A80;
	s12 =	simm.s32 $0x6200;
	s13 =	simm.s32 $0x6280;
	v3 =	vunpack.c.l.s4.s8 v3;
	v4 =	vunpack.c.l.s4.s8 v4;
	v5 =	vunpack.c.l.s4.s8 v5  }
0x7: {  	[smem:$0x7FF] =	sst s0;
	s6 =	smul.u32 $0xC400, s14;
	s5 =	sand.u32 $0x1, s5;
	v6 =	vunpack.c.l.s4.s8 v6;
	v7 =	vunpack.c.l.s4.s8 v7;
	v0 =	vunpack.c.0.s8.s32 v0  }
0x8: {  	s31 =	sshll.u32 s14, $0x7;
	p0 =	sne.s32 s14, $0x0;
	s14 =	simm.s32 $0x0;
	v2 =	vunpack.c.0.s8.s32 v2;
	v3 =	vunpack.c.0.s8.s32 v3;
	v4 =	vunpack.c.0.s8.s32 v4  }
0x9: {  	_ =	strace $0x80000047;
	s7 =	sshll.u32 s5, $0x9;
	s8 =	sshll.u32 s5, $0x4;
	v5 =	vunpack.c.0.s8.s32 v5;
	v6 =	vunpack.c.0.s8.s32 v6;
	v7 =	vunpack.c.0.s8.s32 v7  }
0xa: {  	vm2 =	vcmask $0x710;
	s5 =	ssub.s32 $0x2, s5;
	s6 =	sor.u32 s7, s6;
	s28 =	sadd.s32 s8, s4;
	v1 =	vunpack.c.0.s8.s32 v1;
	v2 =	vcombine.low v3, v2  }
0xb: {  	s29 =	sshrl.u32 s5, $0x1;
	s4 =	sadd.s32 s31, s1;
	s7 =	simm.s32 $0x200;
	v3 =	vcombine.low v5, v4;
	v4 =	vand.u32 $0xF, v0;
	v5 =	vcombine.low v7, v6  }
0xc: {  	vm3 =	vcmask $0xB10;
	s8 =	simm.s32 $0x400;
	s6 =	sshrl.u32 s6, $0x3;
	s30 =	ssub.s32 s5, s29;
	v0 =	vimm.s32 $0x0;
	v1 =	vcombine.low v4, v1  }
0xd: {  	s5 =	sadd.s32 $0x620C00, s28;
	s3 =	sadd.s32 s3, s6;
	s6 =	smax.u32 s30, $0x1;
	v2 =	vand.u32 $0xF, v2;
	v3 =	vand.u32 $0xF, v3;
	v4 =	vand.u32 $0xF, v5  }
.LBB2_1:
0xe: {  	[tilespmem:s0], [sflag:$0x1] =	stream.strided.gather [hbm4b:s3+s7], $0x6200, s8, s7, $0x38;
	[tilespmem:$0x6B90] =	vst v63  }
0xf: {  	_ =	swait.ge [sflag:s9], $0x6200  }
0x10: {  	[sflag:s9] =	ssyncset.done $0x0  }
0x11: {  	v5 =	vimm.s32 $0x80000000;
	s15 =	simm.s32 $0x0;
	[sflag:s9] =	ssyncadd.s32 $0xFFFF9E00  }
.LBB2_2:
0x12: {  	s16 =	simm.s32 $0x0  }
0x13: {  	s18 =	sand.u32 $0x70, s16;
	s19 =	sand.u32 $0x7E00, s16  }
0x14: {  	s17 =	sshrl.u32 s10, s15;
	s18 =	sor.u32 s18, s19  }
0x15: {  	v6 =	vadd.s32 s17, v5;
	v9 =	vld [tilespmem:s18+$0x0]  }
0x16: {  	v7 =	vimm.s32 $0x0;
	s17 =	simm.s32 $0x10;
	v8 =	vbroadcast v6, $0x0  }
.LBB2_3:
0x17: {  	p1 =	sne.s32 s17, $0x1870  }
.Ltmp0:
0x18: {  	s18 =	sand.u32 $0x70, s17;
	s16 =	sadd.s32 $0x40, s16;
	(pc) =	sbr.rel @p1 .LBB2_3-.Ltmp0, $4  }
0x19: {  	s17 =	sadd.s32 $0x10, s17;
	s19 =	sand.u32 $0x7E00, s16  }
0x1a: {  	s18 =	sor.u32 s18, s19;
	vm4 =	vge.s32 v9, v8  }
0x1b: {  	v9 =	vld [tilespmem:s18+$0x0];
	v10 =	vsel vm4, $0x1, v0  }
0x1c: {  	v7 =	vadd.s32 v10, v7  }
0x1d: {  	_ =	sdelay $0x2  }
0x1e: {  	vm4 =	vge.s32 v9, v8  }
0x1f: {  	v8 =	vsel vm4, $0x1, v0  }
0x20: {  	v7 =	vadd.s32 v8, v7  }
0x21: {  	[tilespmem:$0x6A80] =	vst v7  }
0x22: {  	v8 =	vld.idx.msk [tilespmem:v1+s11+$0x0], $0xffff;
	_ =	sdelay $0x4  }
0x23: {  	v7 =	vadd.s32 v7, v8  }
0x24: {  	[tilespmem:$0x6A80] =	vst v7  }
0x25: {  	v8 =	vld.idx.msk [tilespmem:v2+s11+$0x0], $0xffff;
	_ =	sdelay $0x4  }
0x26: {  	v7 =	vadd.s32 v7, v8  }
0x27: {  	[tilespmem:$0x6A80] =	vst v7  }
0x28: {  	v8 =	vld.idx.msk [tilespmem:v3+s11+$0x0], $0xffff;
	_ =	sdelay $0x3  }
0x29: {  	s16 =	simm.s32 $0x0  }
0x2a: {  	s17 =	sand.u32 $0x70, s16;
	s18 =	sand.u32 $0x7E00, s16;
	v7 =	vadd.s32 v7, v8  }
0x2b: {  	s18 =	sor.u32 s17, s18;
	[tilespmem:$0x6A80] =	vst v7  }
0x2c: {  	v11 =	vld [tilespmem:s18+$0x80]  }
0x2d: {  	v10 =	vbroadcast v6, $0x1;
	s17 =	simm.s32 $0x10;
	v9 =	vimm.s32 $0x0;
	v8 =	vld.idx.msk [tilespmem:v4+s11+$0x0], $0xffff  }
.LBB2_5:
0x2e: {  	p1 =	sne.s32 s17, $0x1870  }
.Ltmp1:
0x2f: {  	s18 =	sand.u32 $0x70, s17;
	s16 =	sadd.s32 $0x40, s16;
	(pc) =	sbr.rel @p1 .LBB2_5-.Ltmp1, $4  }
0x30: {  	s17 =	sadd.s32 $0x10, s17;
	s19 =	sand.u32 $0x7E00, s16  }
0x31: {  	s18 =	sor.u32 s18, s19;
	vm4 =	vge.s32 v11, v10  }
0x32: {  	v11 =	vld [tilespmem:s18+$0x80];
	v12 =	vsel vm4, $0x1, v0  }
0x33: {  	v9 =	vadd.s32 v12, v9  }
0x34: {  	_ =	sdelay $0x2  }
0x35: {  	vm4 =	vge.s32 v11, v10  }
0x36: {  	v10 =	vsel vm4, $0x1, v0  }
0x37: {  	v9 =	vadd.s32 v10, v9  }
0x38: {  	[tilespmem:$0x6A80] =	vst v9  }
0x39: {  	v10 =	vld.idx.msk [tilespmem:v1+s11+$0x0], $0xffff;
	_ =	sdelay $0x4  }
0x3a: {  	v9 =	vadd.s32 v9, v10  }
0x3b: {  	[tilespmem:$0x6A80] =	vst v9  }
0x3c: {  	v10 =	vld.idx.msk [tilespmem:v2+s11+$0x0], $0xffff;
	_ =	sdelay $0x4  }
0x3d: {  	v9 =	vadd.s32 v9, v10  }
0x3e: {  	[tilespmem:$0x6A80] =	vst v9  }
0x3f: {  	v10 =	vld.idx.msk [tilespmem:v3+s11+$0x0], $0xffff;
	_ =	sdelay $0x3  }
0x40: {  	s16 =	simm.s32 $0x0  }
0x41: {  	s17 =	sand.u32 $0x70, s16;
	s18 =	sand.u32 $0x7E00, s16;
	v9 =	vadd.s32 v9, v10  }
0x42: {  	s18 =	sor.u32 s17, s18;
	[tilespmem:$0x6A80] =	vst v9  }
0x43: {  	v13 =	vld [tilespmem:s18+$0x100]  }
0x44: {  	v12 =	vbroadcast v6, $0x2;
	s17 =	simm.s32 $0x10;
	v11 =	vimm.s32 $0x0;
	v10 =	vld.idx.msk [tilespmem:v4+s11+$0x0], $0xffff  }
.LBB2_7:
0x45: {  	p1 =	sne.s32 s17, $0x1870  }
.Ltmp2:
0x46: {  	s18 =	sand.u32 $0x70, s17;
	s16 =	sadd.s32 $0x40, s16;
	(pc) =	sbr.rel @p1 .LBB2_7-.Ltmp2, $4  }
0x47: {  	s17 =	sadd.s32 $0x10, s17;
	s19 =	sand.u32 $0x7E00, s16  }
0x48: {  	s18 =	sor.u32 s18, s19;
	vm4 =	vge.s32 v13, v12  }
0x49: {  	v13 =	vld [tilespmem:s18+$0x100];
	v14 =	vsel vm4, $0x1, v0  }
0x4a: {  	v11 =	vadd.s32 v14, v11  }
0x4b: {  	_ =	sdelay $0x2  }
0x4c: {  	vm4 =	vge.s32 v13, v12  }
0x4d: {  	v12 =	vsel vm4, $0x1, v0  }
0x4e: {  	v11 =	vadd.s32 v12, v11  }
0x4f: {  	[tilespmem:$0x6A80] =	vst v11  }
0x50: {  	v12 =	vld.idx.msk [tilespmem:v1+s11+$0x0], $0xffff;
	_ =	sdelay $0x4  }
0x51: {  	v11 =	vadd.s32 v11, v12  }
0x52: {  	[tilespmem:$0x6A80] =	vst v11  }
0x53: {  	v12 =	vld.idx.msk [tilespmem:v2+s11+$0x0], $0xffff;
	_ =	sdelay $0x4  }
0x54: {  	v11 =	vadd.s32 v11, v12  }
0x55: {  	[tilespmem:$0x6A80] =	vst v11  }
0x56: {  	v12 =	vld.idx.msk [tilespmem:v3+s11+$0x0], $0xffff;
	_ =	sdelay $0x3  }
0x57: {  	s16 =	simm.s32 $0x0  }
0x58: {  	s17 =	sand.u32 $0x70, s16;
	s18 =	sand.u32 $0x7E00, s16;
	v11 =	vadd.s32 v11, v12  }
0x59: {  	s18 =	sor.u32 s17, s18;
	[tilespmem:$0x6A80] =	vst v11  }
0x5a: {  	v15 =	vld [tilespmem:s18+$0x180]  }
0x5b: {  	v14 =	vbroadcast v6, $0x3;
	s17 =	simm.s32 $0x10;
	v13 =	vimm.s32 $0x0;
	v12 =	vld.idx.msk [tilespmem:v4+s11+$0x0], $0xffff  }
.LBB2_9:
0x5c: {  	p1 =	sne.s32 s17, $0x1870  }
.Ltmp3:
0x5d: {  	s18 =	sand.u32 $0x70, s17;
	s16 =	sadd.s32 $0x40, s16;
	(pc) =	sbr.rel @p1 .LBB2_9-.Ltmp3, $4  }
0x5e: {  	s17 =	sadd.s32 $0x10, s17;
	s19 =	sand.u32 $0x7E00, s16  }
0x5f: {  	s18 =	sor.u32 s18, s19;
	vm4 =	vge.s32 v15, v14  }
0x60: {  	v15 =	vld [tilespmem:s18+$0x180];
	v16 =	vsel vm4, $0x1, v0  }
0x61: {  	v13 =	vadd.s32 v16, v13  }
0x62: {  	_ =	sdelay $0x2  }
0x63: {  	vm4 =	vge.s32 v15, v14  }
0x64: {  	v14 =	vsel vm4, $0x1, v0  }
0x65: {  	v13 =	vadd.s32 v14, v13  }
0x66: {  	[tilespmem:$0x6A80] =	vst v13  }
0x67: {  	v42 =	vld.idx.msk [tilespmem:v1+s11+$0x0], $0xffff;
	_ =	sdelay $0x4  }
0x68: {  	v13 =	vadd.s32 v13, v42  }
0x69: {  	[tilespmem:$0x6A80] =	vst v13  }
0x6a: {  	v43 =	vld.idx.msk [tilespmem:v2+s11+$0x0], $0xffff;
	_ =	sdelay $0x4  }
0x6b: {  	v13 =	vadd.s32 v13, v43  }
0x6c: {  	[tilespmem:$0x6A80] =	vst v13  }
0x6d: {  	v44 =	vld.idx.msk [tilespmem:v3+s11+$0x0], $0xffff;
	_ =	sdelay $0x4  }
0x6e: {  	v13 =	vadd.s32 v13, v44  }
0x6f: {  	[tilespmem:$0x6A80] =	vst v13  }
0x70: {  	v45 =	vld.idx.msk [tilespmem:v4+s11+$0x0], $0xffff;
	_ =	sdelay $0x1  }
0x71: {  	v7 =	vadd.s32 v7, v8  }
0x72: {  	v46 =	vadd.s32 v9, v10;
	v7 =	vnsel vm0, $0x0, v7  }
0x73: {  	v47 =	vadd.s32 v11, v12;
	v7 =	vsel vm1, v7, v46  }
0x74: {  	v7 =	vsel vm2, v7, v47;
	v48 =	vadd.s32 v13, v45  }
0x75: {  	v7 =	vsel vm3, v7, v48  }
0x76: {  	[tilespmem:$0x6200] =	vst v7  }
0x77: {  	[spmem:s4] =	stream.linear.scatter [tilespmem:s12], [sflag:$0x1], $0x80, $0x38;
	[tilespmem:$0x6B90] =	vst v63  }
0x78: {  	_ =	swait.ge [sflag:s9], $0x80  }
0x79: {  	[sflag:s9] =	ssyncset.done $0x0  }
0x7a: {  	[sflag:s9] =	ssyncadd.s32 $0xFFFFFF80  }
0x7b: {  	[bflag:$0x0] =	sbarrier.arrive $0xFFFF  }
0x7c: {  	[tilespmem:s13], [sflag:$0x1] =	stream.linear.gather [spmem:s1], $0x800, $0x38;
	[tilespmem:$0x6B90] =	vst v63  }
0x7d: {  	_ =	swait.ge [sflag:s9], $0x800  }
0x7e: {  	[sflag:s9] =	ssyncset.done $0x0  }
0x7f: {  	[sflag:s9] =	ssyncadd.s32 $0xFFFFF800  }
0x80: {  	[bflag:$0x0] =	sbarrier.arrive $0xFFFF  }
0x81: {  	v7 =	vld [tilespmem:$0x6280]  }
0x82: {  	v49 =	vld [tilespmem:$0x6300]  }
0x83: {  	v50 =	vld [tilespmem:$0x6380]  }
0x84: {  	v51 =	vld [tilespmem:$0x6400]  }
0x85: {  	v52 =	vld [tilespmem:$0x6480]  }
0x86: {  	v53 =	vld [tilespmem:$0x6500]  }
0x87: {  	v54 =	vld [tilespmem:$0x6580];
	v7 =	vadd.s32 v7, v49  }
0x88: {  	v55 =	vld [tilespmem:$0x6600];
	v7 =	vadd.s32 v50, v7  }
0x89: {  	v56 =	vld [tilespmem:$0x6680];
	v7 =	vadd.s32 v51, v7  }
0x8a: {  	v57 =	vld [tilespmem:$0x6700];
	v7 =	vadd.s32 v52, v7  }
0x8b: {  	v58 =	vld [tilespmem:$0x6780];
	v7 =	vadd.s32 v53, v7  }
0x8c: {  	v59 =	vld [tilespmem:$0x6800];
	v7 =	vadd.s32 v54, v7  }
0x8d: {  	v60 =	vld [tilespmem:$0x6880];
	v7 =	vadd.s32 v55, v7  }
0x8e: {  	v61 =	vld [tilespmem:$0x6900];
	v7 =	vadd.s32 v56, v7  }
0x8f: {  	v62 =	vld [tilespmem:$0x6980];
	v7 =	vadd.s32 v57, v7  }
0x90: {  	v63 =	vld [tilespmem:$0x6A00];
	v7 =	vadd.s32 v58, v7  }
0x91: {  	s15 =	sadd.s32 $0x1, s15;
	v7 =	vadd.s32 v59, v7  }
0x92: {  	p1 =	sne.s32 s15, $0x20;
	v7 =	vadd.s32 v60, v7  }
.Ltmp4:
0x93: {  	v7 =	vadd.s32 v61, v7;
	(pc) =	sbr.rel @p1 .LBB2_2-.Ltmp4, $4  }
0x94: {  	v7 =	vadd.s32 v62, v7  }
0x95: {  	v7 =	vadd.s32 v63, v7  }
0x96: {  	vm4 =	vgt.s32 v7, $0x3A97  }
0x97: {  	v5 =	vsel vm4, v6, v5  }
0x98: {  	v6 =	vxor.u32 $0x7FFFFFFF, v5;
	vm4 =	vlt.s32 v5, $0x0  }
0x99: {  	s14 =	sadd.s32 $0x1, s14;
	v5 =	vsel vm4, v6, v5  }
0x9a: {  	s15 =	simm.s32 @!p0 $0x0;
	s16 =	simm.s32 @!p0 $0x6B00;
	p1 =	sne.s32 s14, s6;
	[tilespmem:$0x6B00] =	vst v5  }
0x9b: {  	[hbm4b:s5+s15] =	stream.linear.scatter @!p0 [tilespmem:s16], [sflag:$0x1], $0x80, $0x38;
	[tilespmem:$0x6B90] =	vst v63  }
.Ltmp5:
0x9c: {  	_ = 	snop;
	(pc) =	sbr.rel @p1 .LBB2_1-.Ltmp5, $4  }
0x9d: {  	s15 =	simm.s32 @!p0 $0x1  }
0x9e: {  	_ =	swait.ge @!p0 [sflag:s15], $0x80  }
0x9f: {  	[sflag:s15] =	ssyncset.done @!p0 $0x0  }
0xa0: {  	[sflag:s15] =	ssyncadd.s32 @!p0 $0xFFFFFF80  }
0xa1: {  	_ =	sfence.sel $0x180000  }
0xa2: {  	[bflag:$0x0] =	sbarrier.arrive $0xFFFF  }
0xa3: {  	_ =	strace $0x90000047  }
0xa4: {  	s0 =	sadd.s32 @!p0 $0x100000, s2;
	[bflag:$0x2] =	sbarrier.arrive $0xFFFF  }
0xa5: {  	[sflag:s0] =	ssyncadd.tile.s32 @!p0 $0x1;
	_ =	shalt  }
.Lfunc_end2:
_tile_overlayer_lowered:
.L_overlay_start_2:
0xa6: {  	(tag) =	ssettag $0x2  }
0xa7: {  	s0 =	rddreg [dreg:$0x0];
	s2 =	stileid.u32  }
0xa8: {  	s1 =	rddreg [dreg:$0x1];
	p0 =	sne.s32 s2, $0x0  }
0xa9: {  	s3 =	rddreg [dreg:$0x2];
	[bflag:$0x3] =	sbarrier.arrive $0xFFFF;
	s2 =	simm.s32 @!p0 $0x1C01  }
0xaa: {  	[timem:s3], [sflag:s2] =	dma.local @!p0 [hbm:s0], s1  }
0xab: {  	s0 =	simm.s32 @!p0 $0x1  }
0xac: {  	_ =	swait.ge @!p0 [sflag:s0], s1  }
0xad: {  	s1 =	ssub.s32 @!p0 $0x0, s1;
	[sflag:s0] =	ssyncset.done @!p0 $0x0  }
0xae: {  	[sflag:s0] =	ssyncadd.s32 @!p0 s1  }
0xaf: {  	[bflag:$0x3] =	sbarrier.arrive $0xFFFF  }
0xb0: {  	_ =	shalt  }

</sc_bundles>
